<compile_context>
chip_gen: v7x
topology: tpu7x:2x2x1
jax: 0.10.2.dev20260603
libtpu: 0.0.44.dev20260713+nightly
codegen_flags: <defaults>
</compile_context>

<pallas_src>
import functools

import jax
import jax.numpy as jnp
from jax import lax
from jax.experimental import pallas as pl
from jax.experimental.pallas import tpu as pltpu
from jax.experimental.pallas import tpu_sc as plsc

N = 4096
E = 131072
D_IN = 300
DH = 64

NC = 2
NS = 16
C = 128
NBUF = 4
EPT = E // NS
NCHUNK = EPT // C
RPT = 264
R = NS * RPT
TRASH = N
OPT = N // NS

_PREC = lax.Precision.DEFAULT


def _make_proj(interpret=False):
  RB = 512

  def body(x_ref, wy_ref, wu_ref, e_ref, tbl_ref, u_ref, rows_ref, cols_ref):
    x = x_ref[...]
    y = jnp.dot(x, wy_ref[0], preferred_element_type=jnp.float32,
                precision=_PREC)
    u = jnp.dot(x, wu_ref[0], preferred_element_type=jnp.float32,
                precision=_PREC)
    ones = jnp.ones((RB, 16), jnp.float32)
    pad = jnp.zeros((RB, 48), jnp.float32)
    tbl_ref[...] = jnp.concatenate([y, ones, pad], axis=1)
    u_ref[...] = u[None]

    @pl.when(jnp.logical_and(pl.program_id(0) == 0, pl.program_id(1) == 0))
    def _():
      rows = e_ref[:, 0, :]
      cols = e_ref[:, 1, :]
      valid = rows != cols
      rows_ref[...] = jnp.where(valid, rows, TRASH)
      off = lax.broadcasted_iota(jnp.int32, (2, E), 0) * N
      cols_ref[...] = cols + off

  grid = (N // RB, 2)
  return pl.pallas_call(
      body,
      grid=grid,
      in_specs=[
          pl.BlockSpec((RB, D_IN), lambda i, j: (i, 0)),
          pl.BlockSpec((1, D_IN, DH), lambda i, j: (j, 0, 0)),
          pl.BlockSpec((1, D_IN, DH), lambda i, j: (j, 0, 0)),
          pl.BlockSpec((2, 2, E), lambda i, j: (0, 0, 0)),
      ],
      out_specs=[
          pl.BlockSpec((RB, 2 * DH), lambda i, j: (j * (N // RB) + i, 0)),
          pl.BlockSpec((1, RB, DH), lambda i, j: (j, i, 0)),
          pl.BlockSpec((2, E), lambda i, j: (0, 0)),
          pl.BlockSpec((2, E), lambda i, j: (0, 0)),
      ],
      out_shape=[
          jax.ShapeDtypeStruct((2 * N, 2 * DH), jnp.float32),
          jax.ShapeDtypeStruct((2, N, DH), jnp.float32),
          jax.ShapeDtypeStruct((2, E), jnp.int32),
          jax.ShapeDtypeStruct((2, E), jnp.int32),
      ],
      interpret=interpret,
  )


@functools.lru_cache(maxsize=None)
def _make_agg(width, interpret=False):
  mesh = plsc.VectorSubcoreMesh(core_axis_name="c", subcore_axis_name="s",
                                num_cores=NC, num_subcores=NS)

  @functools.partial(
      pl.kernel,
      out_type=jax.ShapeDtypeStruct((2, N, width), jnp.float32),
      mesh=mesh,
      scratch_types=[
          pltpu.VMEM((NCHUNK, C), jnp.int32),
          pltpu.VMEM((NCHUNK, C), jnp.int32),
          pltpu.VMEM((NBUF, C, width), jnp.float32),
          pltpu.VMEM_SHARED((R, width), jnp.float32),
          pltpu.SemaphoreType.DMA((NBUF,)),
          pltpu.SemaphoreType.DMA((NBUF,)),
      ],
      interpret=interpret,
  )
  def agg(table, cols, rows, zz, out, colv, rowv, buf, acc, gsem, ssem):
    c = lax.axis_index("c")
    s = lax.axis_index("s")
    pltpu.sync_copy(zz.at[pl.ds(s * RPT, RPT)], acc.at[pl.ds(s * RPT, RPT)])
    pltpu.sync_copy(cols.at[c, s], colv)
    pltpu.sync_copy(rows.at[c, s], rowv)
    plsc.subcore_barrier()

    for p in range(NBUF - 1):
      pltpu.async_copy(table.at[colv.at[p]], buf.at[p], gsem.at[p])

    def body(j, carry):
      slot = lax.rem(j, NBUF)
      pslot = lax.rem(j + NBUF - 1, NBUF)

      @pl.when(j + NBUF - 1 < NCHUNK)
      def _():
        @pl.when(j >= 1)
        def _():
          pltpu.make_async_copy(
              buf.at[pslot], acc.at[rowv.at[j - 1]], ssem.at[pslot]).wait()

        pltpu.async_copy(table.at[colv.at[j + NBUF - 1]], buf.at[pslot],
                         gsem.at[pslot])

      pltpu.make_async_copy(table.at[colv.at[j]], buf.at[slot],
                            gsem.at[slot]).wait()
      pltpu.async_copy(buf.at[slot], acc.at[rowv.at[j]], ssem.at[slot],
                       add=True)
      return carry

    lax.fori_loop(0, NCHUNK, body, 0)
    for p in range(NBUF):
      last = NCHUNK - NBUF + p
      pltpu.make_async_copy(
          buf.at[last % NBUF], acc.at[rowv.at[last]],
          ssem.at[last % NBUF]).wait()
    plsc.subcore_barrier()
    pltpu.sync_copy(acc.at[pl.ds(s * OPT, OPT)], out.at[c, pl.ds(s * OPT, OPT)])

  return agg


def _make_h0(interpret=False):
  RB = 512

  def body(su_ref, u_ref, b_ref, wt_ref, h0_ref, t_ref):
    su = su_ref[0]
    cnt = su[:, DH:DH + 1]
    agg = su[:, :DH] / jnp.maximum(cnt, 1.0)
    pre = agg + u_ref[0] + b_ref[0]
    nrm = jnp.sqrt(jnp.sum(pre * pre, axis=1, keepdims=True))
    h = jnp.tanh(pre / jnp.maximum(nrm, 1e-12))
    h0_ref[...] = h[None]
    t_ref[...] = jnp.dot(h, wt_ref[0], preferred_element_type=jnp.float32,
                         precision=_PREC)

  grid = (N // RB, 2)
  return pl.pallas_call(
      body,
      grid=grid,
      in_specs=[
          pl.BlockSpec((1, RB, 2 * DH), lambda i, j: (j, i, 0)),
          pl.BlockSpec((1, RB, DH), lambda i, j: (j, i, 0)),
          pl.BlockSpec((1, 1, DH), lambda i, j: (j, 0, 0)),
          pl.BlockSpec((1, DH, 2 * DH), lambda i, j: (j, 0, 0)),
      ],
      out_specs=[
          pl.BlockSpec((1, RB, DH), lambda i, j: (j, i, 0)),
          pl.BlockSpec((RB, 2 * DH), lambda i, j: (j * (N // RB) + i, 0)),
      ],
      out_shape=[
          jax.ShapeDtypeStruct((2, N, DH), jnp.float32),
          jax.ShapeDtypeStruct((2 * N, 2 * DH), jnp.float32),
      ],
      interpret=interpret,
  )


def _make_deep(interpret=False):
  RB = 512

  def body(sd_ref, tp_ref, tn_ref, h0_ref, cnt_ref, ws_ref, bd_ref, out_ref):
    ts = [tp_ref[...], tn_ref[...]]
    hs = []
    for sgn in range(2):
      oth = 1 - sgn
      c_own = cnt_ref[sgn][:, None] + 1.0
      c_oth = cnt_ref[oth][:, None] + 1.0
      own = (sd_ref[sgn][:, :DH] + ts[sgn][:, :DH]) / c_own
      cross = (sd_ref[oth][:, DH:] + ts[oth][:, DH:]) / c_oth
      slf = jnp.dot(h0_ref[sgn], ws_ref[sgn],
                    preferred_element_type=jnp.float32, precision=_PREC)
      pre = own + cross + slf + bd_ref[sgn][None, :]
      nrm = jnp.sqrt(jnp.sum(pre * pre, axis=1, keepdims=True))
      hs.append(jnp.tanh(pre / jnp.maximum(nrm, 1e-12)))
    z = jnp.concatenate(hs, axis=1)
    nrm = jnp.sqrt(jnp.sum(z * z, axis=1, keepdims=True))
    out_ref[...] = z / jnp.maximum(nrm, 1e-12)

  grid = (N // RB,)
  return pl.pallas_call(
      body,
      grid=grid,
      in_specs=[
          pl.BlockSpec((2, RB, 2 * DH), lambda i: (0, i, 0)),
          pl.BlockSpec((RB, 2 * DH), lambda i: (i, 0)),
          pl.BlockSpec((RB, 2 * DH), lambda i: (N // RB + i, 0)),
          pl.BlockSpec((2, RB, DH), lambda i: (0, i, 0)),
          pl.BlockSpec((2, RB), lambda i: (0, i)),
          pl.BlockSpec((2, DH, DH), lambda i: (0, 0, 0)),
          pl.BlockSpec((2, DH), lambda i: (0, 0)),
      ],
      out_specs=pl.BlockSpec((RB, 2 * DH), lambda i: (i, 0)),
      out_shape=jax.ShapeDtypeStruct((N, 2 * DH), jnp.float32),
      interpret=interpret,
  )


def _make_sim(interpret=False):
  BM, BN = 256, 4096
  GM, GN = N // BM, N // BN

  def body(a_ref, b_ref, m_ref, l_ref, pred_ref, ls_ref):
    i = pl.program_id(0)
    j = pl.program_id(1)
    g = lax.dot_general(a_ref[...], b_ref[...], (((1,), (1,)), ((), ())),
                        preferred_element_type=jnp.float32,
                        precision=_PREC)
    p = g * m_ref[...]
    pred_ref[...] = p.reshape(BM, BN // 128, 128)
    d = p - l_ref[...]
    part = jnp.sum(d * d)

    @pl.when(jnp.logical_and(i == 0, j == 0))
    def _():
      ls_ref[0, 0] = 0.0

    ls_ref[0, 0] += part

    @pl.when(jnp.logical_and(i == GM - 1, j == GN - 1))
    def _():
      ls_ref[0, 0] = ls_ref[0, 0] / (N * N)

  return pl.pallas_call(
      body,
      grid=(GM, GN),
      in_specs=[
          pl.BlockSpec((BM, 2 * DH), lambda i, j: (i, 0)),
          pl.BlockSpec((BN, 2 * DH), lambda i, j: (j, 0)),
          pl.BlockSpec((BM, BN), lambda i, j: (i, j)),
          pl.BlockSpec((BM, BN), lambda i, j: (i, j)),
      ],
      out_specs=[
          pl.BlockSpec((BM, BN // 128, 128), lambda i, j: (i, j, 0)),
          pl.BlockSpec((1, 1), lambda i, j: (0, 0),
                       memory_space=pltpu.SMEM),
      ],
      out_shape=[
          jax.ShapeDtypeStruct((N, N // 128, 128), jnp.float32),
          jax.ShapeDtypeStruct((1, 1), jnp.float32),
      ],
      interpret=interpret,
  )


_proj = _make_proj()
_h0 = _make_h0()
_deep = _make_deep()
_sim = _make_sim()


def kernel(X, W_pos_base, b_pos_base, W_neg_base, b_neg_base, W_pos_deep,
           b_pos_deep, W_neg_deep, b_neg_deep, labels, label_mask,
           positive_edges, negative_edges):
  Wy = jnp.stack([W_pos_base[:D_IN], W_neg_base[:D_IN]])
  Wu = jnp.stack([W_pos_base[D_IN:], W_neg_base[D_IN:]])
  bcat = jnp.stack([b_pos_base, b_neg_base])
  Wt = jnp.stack([
      jnp.concatenate([W_pos_deep[:DH], W_neg_deep[DH:2 * DH]], axis=1),
      jnp.concatenate([W_neg_deep[:DH], W_pos_deep[DH:2 * DH]], axis=1),
  ])
  Wself = jnp.stack([W_pos_deep[2 * DH:], W_neg_deep[2 * DH:]])
  bd = jnp.stack([b_pos_deep, b_neg_deep])
  edges_all = jnp.stack([positive_edges, negative_edges]).astype(jnp.int32)

  table_base, U, rows_adj, cols_adj = _proj(X, Wy, Wu, edges_all)
  cols_r = cols_adj.reshape(2, NS, NCHUNK, C)
  rows_r = rows_adj.reshape(2, NS, NCHUNK, C)

  zz = jnp.zeros((R, 2 * DH), jnp.float32)
  agg = _make_agg(2 * DH)
  s_base = agg(table_base, cols_r, rows_r, zz)
  cnt = s_base[:, :, DH]

  h0, t_deep = _h0(s_base, U, bcat[:, None, :], Wt)

  s_deep = agg(t_deep, cols_r, rows_r, zz)

  x_mol = _deep(s_deep, t_deep, t_deep, h0, cnt, Wself, bd)

  pred2d, lsum = _sim(x_mol, x_mol, label_mask, labels.reshape(N, N))
  return (lsum[0, 0], x_mol, pred2d.reshape(-1))

# --- scband reference (transcript-rebuilt; emitter-appended) ---
"""Pipeline reference for scband-signed-graph-convolutional-network2-91190745628895 (READ-ONLY COPY).

The authoritative reference and input builder live on the scoring server;
editing this copy changes nothing except your own understanding.
"""

import jax, jax.numpy as jnp
import numpy as np

N = 4096
E = 131072
D_IN = 300
D_HID = 64


def _segment_mean(src, rows, cnt, num_nodes):
    s = jax.ops.segment_sum(src, rows, num_segments=num_nodes)
    c = jax.ops.segment_sum(cnt, rows, num_segments=num_nodes)
    return s / jnp.maximum(c, 1.0)[:, None]


def _mean_no_self(x, ei):
    # SignedSAGEConvolutionBase: remove_self_loops + scatter_mean(x[col], row)
    row, col = ei[0], ei[1]
    valid = (row != col)
    rows = jnp.where(valid, row, 0)
    vf = valid.astype(x.dtype)
    src = x[col] * vf[:, None]
    return _segment_mean(src, rows, vf, N)


def _mean_with_self(x, ei):
    # SignedSAGEConvolutionDeep: remove_self_loops + add_self_loops + scatter_mean
    row, col = ei[0], ei[1]
    valid = (row != col)
    rows = jnp.where(valid, row, 0)
    vf = valid.astype(x.dtype)
    src = x[col] * vf[:, None]
    loop = jnp.arange(N)
    rows_all = jnp.concatenate([rows, loop])
    src_all = jnp.concatenate([src, x], axis=0)
    cnt_all = jnp.concatenate([vf, jnp.ones((N,), x.dtype)])
    return _segment_mean(src_all, rows_all, cnt_all, N)


def _l2norm(v):
    return v / jnp.maximum(jnp.linalg.norm(v, axis=-1, keepdims=True), 1e-12)


def setup_inputs(seed: int = 0):
    key = jax.random.key(seed)
    ks = jax.random.split(key, 12)
    X = jax.random.normal(ks[0], (N, D_IN), dtype=jnp.float32)
    positive_edges = jax.random.randint(ks[1], (2, E), 0, N, dtype=jnp.int32)
    negative_edges = jax.random.randint(ks[2], (2, E), 0, N, dtype=jnp.int32)
    W_pos_base = jax.random.normal(ks[3], (2 * D_IN, D_HID), dtype=jnp.float32) / np.sqrt(2 * D_IN)
    b_pos_base = jnp.zeros((D_HID,), jnp.float32)
    W_neg_base = jax.random.normal(ks[4], (2 * D_IN, D_HID), dtype=jnp.float32) / np.sqrt(2 * D_IN)
    b_neg_base = jnp.zeros((D_HID,), jnp.float32)
    W_pos_deep = jax.random.normal(ks[5], (3 * D_HID, D_HID), dtype=jnp.float32) / np.sqrt(3 * D_HID)
    b_pos_deep = jnp.zeros((D_HID,), jnp.float32)
    W_neg_deep = jax.random.normal(ks[6], (3 * D_HID, D_HID), dtype=jnp.float32) / np.sqrt(3 * D_HID)
    b_neg_deep = jnp.zeros((D_HID,), jnp.float32)
    labels = jax.random.normal(ks[7], (N * N,), dtype=jnp.float32) * 0.05
    label_mask = (jax.random.uniform(ks[8], (N, N), dtype=jnp.float32) < 0.05).astype(jnp.float32)
    return {"X": X, "W_pos_base": W_pos_base, "b_pos_base": b_pos_base, "W_neg_base": W_neg_base, "b_neg_base": b_neg_base, "W_pos_deep": W_pos_deep, "b_pos_deep": b_pos_deep, "W_neg_deep": W_neg_deep, "b_neg_deep": b_neg_deep, "labels": labels, "label_mask": label_mask, "positive_edges": positive_edges, "negative_edges": negative_edges}


def reference(X, W_pos_base, b_pos_base, W_neg_base, b_neg_base, W_pos_deep, b_pos_deep, W_neg_deep, b_neg_deep, labels, label_mask, positive_edges, negative_edges):
    # h_pos[0] / h_neg[0]: tanh(SignedSAGEConvolutionBase(X, edges)) with norm_embed L2-normalize
    h_pos0 = jnp.tanh(_l2norm(jnp.concatenate([_mean_no_self(X, positive_edges), X], axis=1) @ W_pos_base + b_pos_base))
    h_neg0 = jnp.tanh(_l2norm(jnp.concatenate([_mean_no_self(X, negative_edges), X], axis=1) @ W_neg_base + b_neg_base))
    # deep layer (layers=[64,64] -> one deep aggregator per sign)
    h_pos1 = jnp.tanh(_l2norm(jnp.concatenate([_mean_with_self(h_pos0, positive_edges), _mean_with_self(h_neg0, negative_edges), h_pos0], axis=1) @ W_pos_deep + b_pos_deep))
    h_neg1 = jnp.tanh(_l2norm(jnp.concatenate([_mean_with_self(h_neg0, negative_edges), _mean_with_self(h_pos0, positive_edges), h_neg0], axis=1) @ W_neg_deep + b_neg_deep))
    z = jnp.concatenate([h_pos1, h_neg1], axis=1)
    X_mol = _l2norm(z)
    pred = ((X_mol @ X_mol.T) * label_mask).reshape(-1)
    loss = jnp.mean((pred - labels) ** 2)
    return (loss, X_mol, pred)

if __name__ == "__main__":
    import jax
    _d = setup_inputs()
    print(jax.jit(kernel)(*tuple(_d.values())))

</pallas_src>

<mosaic_0001>
#map = affine_map<(d0, d1) -> (0, 0)>
#map1 = affine_map<(d0, d1) -> (0, 0, 0, 0)>
#map2 = affine_map<(d0, d1) -> (0, 0, 0)>
module attributes {stable_mosaic.version = 14 : i64} {
  func.func @agg(%arg0: i32, %arg1: i32, %arg2: memref<8192x128xf32, #tpu.memory_space<hbm>>, %arg3: memref<2x16x64x128xi32, #tpu.memory_space<hbm>>, %arg4: memref<2x16x64x128xi32, #tpu.memory_space<hbm>>, %arg5: memref<4224x128xf32, #tpu.memory_space<hbm>>, %arg6: memref<2x4096x128xf32, #tpu.memory_space<hbm>>, %arg7: memref<64x128xi32, #tpu.memory_space<vmem>>, %arg8: memref<64x128xi32, #tpu.memory_space<vmem>>, %arg9: memref<4x128x128xf32, #tpu.memory_space<vmem>>, %arg10: memref<4224x128xf32, #tpu.memory_space<vmem_shared>>, %arg11: memref<4x!tpu.dma_semaphore, #tpu.memory_space<semaphore_mem>>, %arg12: memref<4x!tpu.dma_semaphore, #tpu.memory_space<semaphore_mem>>) attributes {dimension_semantics = [#tpu.dimension_semantics<core_parallel>, #tpu.dimension_semantics<subcore_parallel>], iteration_bounds = array<i64: 2, 16>, scalar_prefetch = 0 : i64, scratch_operands = 6 : i64, tpu.core_type = #tpu.core_type<sc_vector_subcore>, window_params = [{transform_indices = #map}, {transform_indices = #map1}, {transform_indices = #map1}, {transform_indices = #map}, {transform_indices = #map2}]} {
    %mul3A = arith.constant 264 : i32
    %mul3A_0 = arith.muli %arg1, %mul3A : i32
    %mul3A_1 = arith.constant 264 : i32
    %mul3A_2 = arith.muli %arg1, %mul3A_1 : i32
    "tpu.region"() ({
      %run_scoped3A = tpu.sem_alloc : memref<!tpu.dma_semaphore, #tpu.memory_space<semaphore_mem>>
      %dma_start3A_116 = arith.constant 0 : i32
      %dma_start3A_117 = tpu.memref_slice %arg10[%mul3A_2, %dma_start3A_116] : memref<4224x128xf32, #tpu.memory_space<vmem_shared>> -> memref<264x128xf32, #tpu.memory_space<vmem_shared>>
      %dma_start3A_118 = arith.constant 0 : i32
      %dma_start3A_119 = tpu.memref_slice %arg5[%mul3A_0, %dma_start3A_118] : memref<4224x128xf32, #tpu.memory_space<hbm>> -> memref<264x128xf32, #tpu.memory_space<hbm>>
      tpu.enqueue_dma source(%dma_start3A_119 : memref<264x128xf32, #tpu.memory_space<hbm>>) target(%dma_start3A_117 : memref<264x128xf32, #tpu.memory_space<vmem_shared>>) target_semaphore(%run_scoped3A : memref<!tpu.dma_semaphore, #tpu.memory_space<semaphore_mem>>)
      %dma_wait3A_120 = arith.constant 0 : i32
      %dma_wait3A_121 = tpu.memref_slice %arg10[%mul3A_2, %dma_wait3A_120] : memref<4224x128xf32, #tpu.memory_space<vmem_shared>> -> memref<264x128xf32, #tpu.memory_space<vmem_shared>>
      %dma_wait3A_122 = arith.constant 0 : i32
      %dma_wait3A_123 = tpu.memref_slice %arg5[%mul3A_0, %dma_wait3A_122] : memref<4224x128xf32, #tpu.memory_space<hbm>> -> memref<264x128xf32, #tpu.memory_space<hbm>>
      tpu.wait_dma2 semaphore(%run_scoped3A : memref<!tpu.dma_semaphore, #tpu.memory_space<semaphore_mem>>) src(%dma_wait3A_123 : memref<264x128xf32, #tpu.memory_space<hbm>>) dst(%dma_wait3A_121 : memref<264x128xf32, #tpu.memory_space<vmem_shared>>)
      tpu.yield
    }) : () -> ()
    "tpu.region"() ({
      %run_scoped3A = tpu.sem_alloc : memref<!tpu.dma_semaphore, #tpu.memory_space<semaphore_mem>>
      %dma_start3A_116 = arith.constant 0 : i32
      %dma_start3A_117 = arith.constant 0 : i32
      %dma_start3A_118 = tpu.memref_slice %arg3[%arg0, %arg1, %dma_start3A_116, %dma_start3A_117] : memref<2x16x64x128xi32, #tpu.memory_space<hbm>> -> memref<1x1x64x128xi32, #tpu.memory_space<hbm>>
      %dma_start3A_119 = tpu.memref_squeeze %dma_start3A_118 : memref<1x1x64x128xi32, #tpu.memory_space<hbm>> -> memref<64x128xi32, #tpu.memory_space<hbm>>
      %dma_start3A_120 = arith.constant 0 : i32
      %dma_start3A_121 = arith.constant 0 : i32
      %dma_start3A_122 = tpu.memref_slice %arg3[%arg0, %arg1, %dma_start3A_120, %dma_start3A_121] : memref<2x16x64x128xi32, #tpu.memory_space<hbm>> -> memref<1x1x64x128xi32, #tpu.memory_space<hbm>>
      %dma_start3A_123 = tpu.memref_squeeze %dma_start3A_122 : memref<1x1x64x128xi32, #tpu.memory_space<hbm>> -> memref<64x128xi32, #tpu.memory_space<hbm>>
      tpu.enqueue_dma source(%dma_start3A_123 : memref<64x128xi32, #tpu.memory_space<hbm>>) target(%arg7 : memref<64x128xi32, #tpu.memory_space<vmem>>) target_semaphore(%run_scoped3A : memref<!tpu.dma_semaphore, #tpu.memory_space<semaphore_mem>>)
      %dma_wait3A_124 = arith.constant 0 : i32
      %dma_wait3A_125 = arith.constant 0 : i32
      %dma_wait3A_126 = tpu.memref_slice %arg3[%arg0, %arg1, %dma_wait3A_124, %dma_wait3A_125] : memref<2x16x64x128xi32, #tpu.memory_space<hbm>> -> memref<1x1x64x128xi32, #tpu.memory_space<hbm>>
      %dma_wait3A_127 = tpu.memref_squeeze %dma_wait3A_126 : memref<1x1x64x128xi32, #tpu.memory_space<hbm>> -> memref<64x128xi32, #tpu.memory_space<hbm>>
      %dma_wait3A_128 = arith.constant 0 : i32
      %dma_wait3A_129 = arith.constant 0 : i32
      %dma_wait3A_130 = tpu.memref_slice %arg3[%arg0, %arg1, %dma_wait3A_128, %dma_wait3A_129] : memref<2x16x64x128xi32, #tpu.memory_space<hbm>> -> memref<1x1x64x128xi32, #tpu.memory_space<hbm>>
      %dma_wait3A_131 = tpu.memref_squeeze %dma_wait3A_130 : memref<1x1x64x128xi32, #tpu.memory_space<hbm>> -> memref<64x128xi32, #tpu.memory_space<hbm>>
      tpu.wait_dma2 semaphore(%run_scoped3A : memref<!tpu.dma_semaphore, #tpu.memory_space<semaphore_mem>>) src(%dma_wait3A_131 : memref<64x128xi32, #tpu.memory_space<hbm>>) dst(%arg7 : memref<64x128xi32, #tpu.memory_space<vmem>>)
      tpu.yield
    }) : () -> ()
    "tpu.region"() ({
      %run_scoped3A = tpu.sem_alloc : memref<!tpu.dma_semaphore, #tpu.memory_space<semaphore_mem>>
      %dma_start3A_116 = arith.constant 0 : i32
      %dma_start3A_117 = arith.constant 0 : i32
      %dma_start3A_118 = tpu.memref_slice %arg4[%arg0, %arg1, %dma_start3A_116, %dma_start3A_117] : memref<2x16x64x128xi32, #tpu.memory_space<hbm>> -> memref<1x1x64x128xi32, #tpu.memory_space<hbm>>
      %dma_start3A_119 = tpu.memref_squeeze %dma_start3A_118 : memref<1x1x64x128xi32, #tpu.memory_space<hbm>> -> memref<64x128xi32, #tpu.memory_space<hbm>>
      %dma_start3A_120 = arith.constant 0 : i32
      %dma_start3A_121 = arith.constant 0 : i32
      %dma_start3A_122 = tpu.memref_slice %arg4[%arg0, %arg1, %dma_start3A_120, %dma_start3A_121] : memref<2x16x64x128xi32, #tpu.memory_space<hbm>> -> memref<1x1x64x128xi32, #tpu.memory_space<hbm>>
      %dma_start3A_123 = tpu.memref_squeeze %dma_start3A_122 : memref<1x1x64x128xi32, #tpu.memory_space<hbm>> -> memref<64x128xi32, #tpu.memory_space<hbm>>
      tpu.enqueue_dma source(%dma_start3A_123 : memref<64x128xi32, #tpu.memory_space<hbm>>) target(%arg8 : memref<64x128xi32, #tpu.memory_space<vmem>>) target_semaphore(%run_scoped3A : memref<!tpu.dma_semaphore, #tpu.memory_space<semaphore_mem>>)
      %dma_wait3A_124 = arith.constant 0 : i32
      %dma_wait3A_125 = arith.constant 0 : i32
      %dma_wait3A_126 = tpu.memref_slice %arg4[%arg0, %arg1, %dma_wait3A_124, %dma_wait3A_125] : memref<2x16x64x128xi32, #tpu.memory_space<hbm>> -> memref<1x1x64x128xi32, #tpu.memory_space<hbm>>
      %dma_wait3A_127 = tpu.memref_squeeze %dma_wait3A_126 : memref<1x1x64x128xi32, #tpu.memory_space<hbm>> -> memref<64x128xi32, #tpu.memory_space<hbm>>
      %dma_wait3A_128 = arith.constant 0 : i32
      %dma_wait3A_129 = arith.constant 0 : i32
      %dma_wait3A_130 = tpu.memref_slice %arg4[%arg0, %arg1, %dma_wait3A_128, %dma_wait3A_129] : memref<2x16x64x128xi32, #tpu.memory_space<hbm>> -> memref<1x1x64x128xi32, #tpu.memory_space<hbm>>
      %dma_wait3A_131 = tpu.memref_squeeze %dma_wait3A_130 : memref<1x1x64x128xi32, #tpu.memory_space<hbm>> -> memref<64x128xi32, #tpu.memory_space<hbm>>
      tpu.wait_dma2 semaphore(%run_scoped3A : memref<!tpu.dma_semaphore, #tpu.memory_space<semaphore_mem>>) src(%dma_wait3A_131 : memref<64x128xi32, #tpu.memory_space<hbm>>) dst(%arg8 : memref<64x128xi32, #tpu.memory_space<vmem>>)
      tpu.yield
    }) : () -> ()
    %barrier3A = arith.constant 0 : index
    tpu.barrier barrier_id(%barrier3A)
    %dma_start3A = arith.constant 0 : i32
    %dma_start3A_3 = arith.constant 0 : i32
    %dma_start3A_4 = arith.constant 0 : i32
    %dma_start3A_5 = arith.constant 0 : i32
    %dma_start3A_6 = arith.constant 0 : i32
    %dma_start3A_7 = tpu.memref_slice %arg9[%dma_start3A_3, %dma_start3A_5, %dma_start3A_6] : memref<4x128x128xf32, #tpu.memory_space<vmem>> -> memref<1x128x128xf32, #tpu.memory_space<vmem>>
    %dma_start3A_8 = tpu.memref_squeeze %dma_start3A_7 : memref<1x128x128xf32, #tpu.memory_space<vmem>> -> memref<128x128xf32, #tpu.memory_space<vmem>>
    %dma_start3A_9 = arith.constant 0 : i32
    %dma_start3A_10 = tpu.memref_slice %arg7[%dma_start3A, %dma_start3A_9] : memref<64x128xi32, #tpu.memory_space<vmem>> -> memref<1x128xi32, #tpu.memory_space<vmem>>
    %dma_start3A_11 = tpu.memref_squeeze %dma_start3A_10 : memref<1x128xi32, #tpu.memory_space<vmem>> -> memref<128xi32, #tpu.memory_space<vmem>>
    %dma_start3A_12 = arith.constant 0 : i32
    %dma_start3A_13 = arith.constant 0 : i32
    %dma_start3A_14 = tpu.memref_slice %arg2[%dma_start3A_12, %dma_start3A_13] : memref<8192x128xf32, #tpu.memory_space<hbm>> -> memref<8192x128xf32, #tpu.memory_space<hbm>>
    %dma_start3A_15 = tpu.memref_slice %arg11[%dma_start3A_4] : memref<4x!tpu.dma_semaphore, #tpu.memory_space<semaphore_mem>> -> memref<1x!tpu.dma_semaphore, #tpu.memory_space<semaphore_mem>>
    %dma_start3A_16 = tpu.memref_squeeze %dma_start3A_15 : memref<1x!tpu.dma_semaphore, #tpu.memory_space<semaphore_mem>> -> memref<!tpu.dma_semaphore, #tpu.memory_space<semaphore_mem>>
    tpu.enqueue_indirect_dma source(%dma_start3A_14 : memref<8192x128xf32, #tpu.memory_space<hbm>>) target(%dma_start3A_8 : memref<128x128xf32, #tpu.memory_space<vmem>>) offsets(%dma_start3A_11 : memref<128xi32, #tpu.memory_space<vmem>>) semaphore(%dma_start3A_16 : memref<!tpu.dma_semaphore, #tpu.memory_space<semaphore_mem>>)
    %dma_start3A_17 = arith.constant 1 : i32
    %dma_start3A_18 = arith.constant 1 : i32
    %dma_start3A_19 = arith.constant 1 : i32
    %dma_start3A_20 = arith.constant 0 : i32
    %dma_start3A_21 = arith.constant 0 : i32
    %dma_start3A_22 = tpu.memref_slice %arg9[%dma_start3A_18, %dma_start3A_20, %dma_start3A_21] : memref<4x128x128xf32, #tpu.memory_space<vmem>> -> memref<1x128x128xf32, #tpu.memory_space<vmem>>
    %dma_start3A_23 = tpu.memref_squeeze %dma_start3A_22 : memref<1x128x128xf32, #tpu.memory_space<vmem>> -> memref<128x128xf32, #tpu.memory_space<vmem>>
    %dma_start3A_24 = arith.constant 0 : i32
    %dma_start3A_25 = tpu.memref_slice %arg7[%dma_start3A_17, %dma_start3A_24] : memref<64x128xi32, #tpu.memory_space<vmem>> -> memref<1x128xi32, #tpu.memory_space<vmem>>
    %dma_start3A_26 = tpu.memref_squeeze %dma_start3A_25 : memref<1x128xi32, #tpu.memory_space<vmem>> -> memref<128xi32, #tpu.memory_space<vmem>>
    %dma_start3A_27 = arith.constant 0 : i32
    %dma_start3A_28 = arith.constant 0 : i32
    %dma_start3A_29 = tpu.memref_slice %arg2[%dma_start3A_27, %dma_start3A_28] : memref<8192x128xf32, #tpu.memory_space<hbm>> -> memref<8192x128xf32, #tpu.memory_space<hbm>>
    %dma_start3A_30 = tpu.memref_slice %arg11[%dma_start3A_19] : memref<4x!tpu.dma_semaphore, #tpu.memory_space<semaphore_mem>> -> memref<1x!tpu.dma_semaphore, #tpu.memory_space<semaphore_mem>>
    %dma_start3A_31 = tpu.memref_squeeze %dma_start3A_30 : memref<1x!tpu.dma_semaphore, #tpu.memory_space<semaphore_mem>> -> memref<!tpu.dma_semaphore, #tpu.memory_space<semaphore_mem>>
    tpu.enqueue_indirect_dma source(%dma_start3A_29 : memref<8192x128xf32, #tpu.memory_space<hbm>>) target(%dma_start3A_23 : memref<128x128xf32, #tpu.memory_space<vmem>>) offsets(%dma_start3A_26 : memref<128xi32, #tpu.memory_space<vmem>>) semaphore(%dma_start3A_31 : memref<!tpu.dma_semaphore, #tpu.memory_space<semaphore_mem>>)
    %dma_start3A_32 = arith.constant 2 : i32
    %dma_start3A_33 = arith.constant 2 : i32
    %dma_start3A_34 = arith.constant 2 : i32
    %dma_start3A_35 = arith.constant 0 : i32
    %dma_start3A_36 = arith.constant 0 : i32
    %dma_start3A_37 = tpu.memref_slice %arg9[%dma_start3A_33, %dma_start3A_35, %dma_start3A_36] : memref<4x128x128xf32, #tpu.memory_space<vmem>> -> memref<1x128x128xf32, #tpu.memory_space<vmem>>
    %dma_start3A_38 = tpu.memref_squeeze %dma_start3A_37 : memref<1x128x128xf32, #tpu.memory_space<vmem>> -> memref<128x128xf32, #tpu.memory_space<vmem>>
    %dma_start3A_39 = arith.constant 0 : i32
    %dma_start3A_40 = tpu.memref_slice %arg7[%dma_start3A_32, %dma_start3A_39] : memref<64x128xi32, #tpu.memory_space<vmem>> -> memref<1x128xi32, #tpu.memory_space<vmem>>
    %dma_start3A_41 = tpu.memref_squeeze %dma_start3A_40 : memref<1x128xi32, #tpu.memory_space<vmem>> -> memref<128xi32, #tpu.memory_space<vmem>>
    %dma_start3A_42 = arith.constant 0 : i32
    %dma_start3A_43 = arith.constant 0 : i32
    %dma_start3A_44 = tpu.memref_slice %arg2[%dma_start3A_42, %dma_start3A_43] : memref<8192x128xf32, #tpu.memory_space<hbm>> -> memref<8192x128xf32, #tpu.memory_space<hbm>>
    %dma_start3A_45 = tpu.memref_slice %arg11[%dma_start3A_34] : memref<4x!tpu.dma_semaphore, #tpu.memory_space<semaphore_mem>> -> memref<1x!tpu.dma_semaphore, #tpu.memory_space<semaphore_mem>>
    %dma_start3A_46 = tpu.memref_squeeze %dma_start3A_45 : memref<1x!tpu.dma_semaphore, #tpu.memory_space<semaphore_mem>> -> memref<!tpu.dma_semaphore, #tpu.memory_space<semaphore_mem>>
    tpu.enqueue_indirect_dma source(%dma_start3A_44 : memref<8192x128xf32, #tpu.memory_space<hbm>>) target(%dma_start3A_38 : memref<128x128xf32, #tpu.memory_space<vmem>>) offsets(%dma_start3A_41 : memref<128xi32, #tpu.memory_space<vmem>>) semaphore(%dma_start3A_46 : memref<!tpu.dma_semaphore, #tpu.memory_space<semaphore_mem>>)
    %scan3A = arith.constant 0 : i32
    %scan3A_47 = arith.constant 0 : i32
    %scan3A_48 = arith.constant 64 : i32
    %scan3A_49 = arith.addi %scan3A_47, %scan3A_48 : i32
    %scan3A_50 = arith.constant 1 : i32
    scf.for %scan3A_116 = %scan3A_47 to %scan3A_49 step %scan3A_50  : i32 {
      %rem3A = arith.constant 4 : i32
      %rem3A_117 = arith.remsi %scan3A_116, %rem3A : i32
      %add3A = arith.constant 4 : i32
      %add3A_118 = arith.addi %scan3A_116, %add3A : i32
      %sub3A = arith.constant 1 : i32
      %sub3A_119 = arith.subi %add3A_118, %sub3A : i32
      %rem3A_120 = arith.constant 4 : i32
      %rem3A_121 = arith.remsi %sub3A_119, %rem3A_120 : i32
      %add3A_122 = arith.constant 4 : i32
      %add3A_123 = arith.addi %scan3A_116, %add3A_122 : i32
      %sub3A_124 = arith.constant 1 : i32
      %sub3A_125 = arith.subi %add3A_123, %sub3A_124 : i32
      %lt3A = arith.constant 64 : i32
      %lt3A_126 = arith.cmpi slt, %sub3A_125, %lt3A : i32
      %convert_element_type3A = arith.extui %lt3A_126 : i1 to i32
      %cond3A = arith.constant 0 : i32
      %cond3A_127 = arith.cmpi ne, %convert_element_type3A, %cond3A : i32
      scf.if %cond3A_127 {
        %ge3A = arith.constant 1 : i32
        %ge3A_152 = arith.cmpi sge, %scan3A_116, %ge3A : i32
        %convert_element_type3A_153 = arith.extui %ge3A_152 : i1 to i32
        %cond3A_154 = arith.constant 0 : i32
        %cond3A_155 = arith.cmpi ne, %convert_element_type3A_153, %cond3A_154 : i32
        scf.if %cond3A_155 {
          %sub3A_172 = arith.constant 1 : i32
          %sub3A_173 = arith.subi %scan3A_116, %sub3A_172 : i32
          %dma_wait3A_174 = arith.constant 0 : i32
          %dma_wait3A_175 = arith.constant 0 : i32
          %dma_wait3A_176 = tpu.memref_slice %arg9[%rem3A_121, %dma_wait3A_174, %dma_wait3A_175] : memref<4x128x128xf32, #tpu.memory_space<vmem>> -> memref<1x128x128xf32, #tpu.memory_space<vmem>>
          %dma_wait3A_177 = tpu.memref_squeeze %dma_wait3A_176 : memref<1x128x128xf32, #tpu.memory_space<vmem>> -> memref<128x128xf32, #tpu.memory_space<vmem>>
          %dma_wait3A_178 = arith.constant 0 : i32
          %dma_wait3A_179 = tpu.memref_slice %arg8[%sub3A_173, %dma_wait3A_178] : memref<64x128xi32, #tpu.memory_space<vmem>> -> memref<1x128xi32, #tpu.memory_space<vmem>>
          %dma_wait3A_180 = tpu.memref_squeeze %dma_wait3A_179 : memref<1x128xi32, #tpu.memory_space<vmem>> -> memref<128xi32, #tpu.memory_space<vmem>>
          %dma_wait3A_181 = arith.constant 0 : i32
          %dma_wait3A_182 = arith.constant 0 : i32
          %dma_wait3A_183 = tpu.memref_slice %arg10[%dma_wait3A_181, %dma_wait3A_182] : memref<4224x128xf32, #tpu.memory_space<vmem_shared>> -> memref<4224x128xf32, #tpu.memory_space<vmem_shared>>
          %dma_wait3A_184 = tpu.memref_slice %arg12[%rem3A_121] : memref<4x!tpu.dma_semaphore, #tpu.memory_space<semaphore_mem>> -> memref<1x!tpu.dma_semaphore, #tpu.memory_space<semaphore_mem>>
          %dma_wait3A_185 = tpu.memref_squeeze %dma_wait3A_184 : memref<1x!tpu.dma_semaphore, #tpu.memory_space<semaphore_mem>> -> memref<!tpu.dma_semaphore, #tpu.memory_space<semaphore_mem>>
          tpu.wait_indirect_dma semaphore(%dma_wait3A_185 : memref<!tpu.dma_semaphore, #tpu.memory_space<semaphore_mem>>) src(%dma_wait3A_177 : memref<128x128xf32, #tpu.memory_space<vmem>>) dst(%dma_wait3A_183 : memref<4224x128xf32, #tpu.memory_space<vmem_shared>>)
        } else {
        }
        %add3A_156 = arith.constant 4 : i32
        %add3A_157 = arith.addi %scan3A_116, %add3A_156 : i32
        %sub3A_158 = arith.constant 1 : i32
        %sub3A_159 = arith.subi %add3A_157, %sub3A_158 : i32
        %dma_start3A_160 = arith.constant 0 : i32
        %dma_start3A_161 = arith.constant 0 : i32
        %dma_start3A_162 = tpu.memref_slice %arg9[%rem3A_121, %dma_start3A_160, %dma_start3A_161] : memref<4x128x128xf32, #tpu.memory_space<vmem>> -> memref<1x128x128xf32, #tpu.memory_space<vmem>>
        %dma_start3A_163 = tpu.memref_squeeze %dma_start3A_162 : memref<1x128x128xf32, #tpu.memory_space<vmem>> -> memref<128x128xf32, #tpu.memory_space<vmem>>
        %dma_start3A_164 = arith.constant 0 : i32
        %dma_start3A_165 = tpu.memref_slice %arg7[%sub3A_159, %dma_start3A_164] : memref<64x128xi32, #tpu.memory_space<vmem>> -> memref<1x128xi32, #tpu.memory_space<vmem>>
        %dma_start3A_166 = tpu.memref_squeeze %dma_start3A_165 : memref<1x128xi32, #tpu.memory_space<vmem>> -> memref<128xi32, #tpu.memory_space<vmem>>
        %dma_start3A_167 = arith.constant 0 : i32
        %dma_start3A_168 = arith.constant 0 : i32
        %dma_start3A_169 = tpu.memref_slice %arg2[%dma_start3A_167, %dma_start3A_168] : memref<8192x128xf32, #tpu.memory_space<hbm>> -> memref<8192x128xf32, #tpu.memory_space<hbm>>
        %dma_start3A_170 = tpu.memref_slice %arg11[%rem3A_121] : memref<4x!tpu.dma_semaphore, #tpu.memory_space<semaphore_mem>> -> memref<1x!tpu.dma_semaphore, #tpu.memory_space<semaphore_mem>>
        %dma_start3A_171 = tpu.memref_squeeze %dma_start3A_170 : memref<1x!tpu.dma_semaphore, #tpu.memory_space<semaphore_mem>> -> memref<!tpu.dma_semaphore, #tpu.memory_space<semaphore_mem>>
        tpu.enqueue_indirect_dma source(%dma_start3A_169 : memref<8192x128xf32, #tpu.memory_space<hbm>>) target(%dma_start3A_163 : memref<128x128xf32, #tpu.memory_space<vmem>>) offsets(%dma_start3A_166 : memref<128xi32, #tpu.memory_space<vmem>>) semaphore(%dma_start3A_171 : memref<!tpu.dma_semaphore, #tpu.memory_space<semaphore_mem>>)
      } else {
      }
      %dma_wait3A_128 = arith.constant 0 : i32
      %dma_wait3A_129 = arith.constant 0 : i32
      %dma_wait3A_130 = tpu.memref_slice %arg9[%rem3A_117, %dma_wait3A_128, %dma_wait3A_129] : memref<4x128x128xf32, #tpu.memory_space<vmem>> -> memref<1x128x128xf32, #tpu.memory_space<vmem>>
      %dma_wait3A_131 = tpu.memref_squeeze %dma_wait3A_130 : memref<1x128x128xf32, #tpu.memory_space<vmem>> -> memref<128x128xf32, #tpu.memory_space<vmem>>
      %dma_wait3A_132 = arith.constant 0 : i32
      %dma_wait3A_133 = tpu.memref_slice %arg7[%scan3A_116, %dma_wait3A_132] : memref<64x128xi32, #tpu.memory_space<vmem>> -> memref<1x128xi32, #tpu.memory_space<vmem>>
      %dma_wait3A_134 = tpu.memref_squeeze %dma_wait3A_133 : memref<1x128xi32, #tpu.memory_space<vmem>> -> memref<128xi32, #tpu.memory_space<vmem>>
      %dma_wait3A_135 = arith.constant 0 : i32
      %dma_wait3A_136 = arith.constant 0 : i32
      %dma_wait3A_137 = tpu.memref_slice %arg2[%dma_wait3A_135, %dma_wait3A_136] : memref<8192x128xf32, #tpu.memory_space<hbm>> -> memref<8192x128xf32, #tpu.memory_space<hbm>>
      %dma_wait3A_138 = tpu.memref_slice %arg11[%rem3A_117] : memref<4x!tpu.dma_semaphore, #tpu.memory_space<semaphore_mem>> -> memref<1x!tpu.dma_semaphore, #tpu.memory_space<semaphore_mem>>
      %dma_wait3A_139 = tpu.memref_squeeze %dma_wait3A_138 : memref<1x!tpu.dma_semaphore, #tpu.memory_space<semaphore_mem>> -> memref<!tpu.dma_semaphore, #tpu.memory_space<semaphore_mem>>
      tpu.wait_indirect_dma semaphore(%dma_wait3A_139 : memref<!tpu.dma_semaphore, #tpu.memory_space<semaphore_mem>>) src(%dma_wait3A_137 : memref<8192x128xf32, #tpu.memory_space<hbm>>) dst(%dma_wait3A_131 : memref<128x128xf32, #tpu.memory_space<vmem>>)
      %dma_start3A_140 = arith.constant 0 : i32
      %dma_start3A_141 = arith.constant 0 : i32
      %dma_start3A_142 = tpu.memref_slice %arg9[%rem3A_117, %dma_start3A_140, %dma_start3A_141] : memref<4x128x128xf32, #tpu.memory_space<vmem>> -> memref<1x128x128xf32, #tpu.memory_space<vmem>>
      %dma_start3A_143 = tpu.memref_squeeze %dma_start3A_142 : memref<1x128x128xf32, #tpu.memory_space<vmem>> -> memref<128x128xf32, #tpu.memory_space<vmem>>
      %dma_start3A_144 = arith.constant 0 : i32
      %dma_start3A_145 = tpu.memref_slice %arg8[%scan3A_116, %dma_start3A_144] : memref<64x128xi32, #tpu.memory_space<vmem>> -> memref<1x128xi32, #tpu.memory_space<vmem>>
      %dma_start3A_146 = tpu.memref_squeeze %dma_start3A_145 : memref<1x128xi32, #tpu.memory_space<vmem>> -> memref<128xi32, #tpu.memory_space<vmem>>
      %dma_start3A_147 = arith.constant 0 : i32
      %dma_start3A_148 = arith.constant 0 : i32
      %dma_start3A_149 = tpu.memref_slice %arg10[%dma_start3A_147, %dma_start3A_148] : memref<4224x128xf32, #tpu.memory_space<vmem_shared>> -> memref<4224x128xf32, #tpu.memory_space<vmem_shared>>
      %dma_start3A_150 = tpu.memref_slice %arg12[%rem3A_117] : memref<4x!tpu.dma_semaphore, #tpu.memory_space<semaphore_mem>> -> memref<1x!tpu.dma_semaphore, #tpu.memory_space<semaphore_mem>>
      %dma_start3A_151 = tpu.memref_squeeze %dma_start3A_150 : memref<1x!tpu.dma_semaphore, #tpu.memory_space<semaphore_mem>> -> memref<!tpu.dma_semaphore, #tpu.memory_space<semaphore_mem>>
      tpu.enqueue_indirect_dma source(%dma_start3A_143 : memref<128x128xf32, #tpu.memory_space<vmem>>) target(%dma_start3A_149 : memref<4224x128xf32, #tpu.memory_space<vmem_shared>>) offsets(%dma_start3A_146 : memref<128xi32, #tpu.memory_space<vmem>>) semaphore(%dma_start3A_151 : memref<!tpu.dma_semaphore, #tpu.memory_space<semaphore_mem>>) {add = true}
    }
    %scan3A_51 = arith.constant 64 : i32
    %dma_wait3A = arith.constant 0 : i32
    %dma_wait3A_52 = arith.constant 60 : i32
    %dma_wait3A_53 = arith.constant 0 : i32
    %dma_wait3A_54 = arith.constant 0 : i32
    %dma_wait3A_55 = arith.constant 0 : i32
    %dma_wait3A_56 = tpu.memref_slice %arg9[%dma_wait3A, %dma_wait3A_54, %dma_wait3A_55] : memref<4x128x128xf32, #tpu.memory_space<vmem>> -> memref<1x128x128xf32, #tpu.memory_space<vmem>>
    %dma_wait3A_57 = tpu.memref_squeeze %dma_wait3A_56 : memref<1x128x128xf32, #tpu.memory_space<vmem>> -> memref<128x128xf32, #tpu.memory_space<vmem>>
    %dma_wait3A_58 = arith.constant 0 : i32
    %dma_wait3A_59 = tpu.memref_slice %arg8[%dma_wait3A_52, %dma_wait3A_58] : memref<64x128xi32, #tpu.memory_space<vmem>> -> memref<1x128xi32, #tpu.memory_space<vmem>>
    %dma_wait3A_60 = tpu.memref_squeeze %dma_wait3A_59 : memref<1x128xi32, #tpu.memory_space<vmem>> -> memref<128xi32, #tpu.memory_space<vmem>>
    %dma_wait3A_61 = arith.constant 0 : i32
    %dma_wait3A_62 = arith.constant 0 : i32
    %dma_wait3A_63 = tpu.memref_slice %arg10[%dma_wait3A_61, %dma_wait3A_62] : memref<4224x128xf32, #tpu.memory_space<vmem_shared>> -> memref<4224x128xf32, #tpu.memory_space<vmem_shared>>
    %dma_wait3A_64 = tpu.memref_slice %arg12[%dma_wait3A_53] : memref<4x!tpu.dma_semaphore, #tpu.memory_space<semaphore_mem>> -> memref<1x!tpu.dma_semaphore, #tpu.memory_space<semaphore_mem>>
    %dma_wait3A_65 = tpu.memref_squeeze %dma_wait3A_64 : memref<1x!tpu.dma_semaphore, #tpu.memory_space<semaphore_mem>> -> memref<!tpu.dma_semaphore, #tpu.memory_space<semaphore_mem>>
    tpu.wait_indirect_dma semaphore(%dma_wait3A_65 : memref<!tpu.dma_semaphore, #tpu.memory_space<semaphore_mem>>) src(%dma_wait3A_57 : memref<128x128xf32, #tpu.memory_space<vmem>>) dst(%dma_wait3A_63 : memref<4224x128xf32, #tpu.memory_space<vmem_shared>>)
    %dma_wait3A_66 = arith.constant 1 : i32
    %dma_wait3A_67 = arith.constant 61 : i32
    %dma_wait3A_68 = arith.constant 1 : i32
    %dma_wait3A_69 = arith.constant 0 : i32
    %dma_wait3A_70 = arith.constant 0 : i32
    %dma_wait3A_71 = tpu.memref_slice %arg9[%dma_wait3A_66, %dma_wait3A_69, %dma_wait3A_70] : memref<4x128x128xf32, #tpu.memory_space<vmem>> -> memref<1x128x128xf32, #tpu.memory_space<vmem>>
    %dma_wait3A_72 = tpu.memref_squeeze %dma_wait3A_71 : memref<1x128x128xf32, #tpu.memory_space<vmem>> -> memref<128x128xf32, #tpu.memory_space<vmem>>
    %dma_wait3A_73 = arith.constant 0 : i32
    %dma_wait3A_74 = tpu.memref_slice %arg8[%dma_wait3A_67, %dma_wait3A_73] : memref<64x128xi32, #tpu.memory_space<vmem>> -> memref<1x128xi32, #tpu.memory_space<vmem>>
    %dma_wait3A_75 = tpu.memref_squeeze %dma_wait3A_74 : memref<1x128xi32, #tpu.memory_space<vmem>> -> memref<128xi32, #tpu.memory_space<vmem>>
    %dma_wait3A_76 = arith.constant 0 : i32
    %dma_wait3A_77 = arith.constant 0 : i32
    %dma_wait3A_78 = tpu.memref_slice %arg10[%dma_wait3A_76, %dma_wait3A_77] : memref<4224x128xf32, #tpu.memory_space<vmem_shared>> -> memref<4224x128xf32, #tpu.memory_space<vmem_shared>>
    %dma_wait3A_79 = tpu.memref_slice %arg12[%dma_wait3A_68] : memref<4x!tpu.dma_semaphore, #tpu.memory_space<semaphore_mem>> -> memref<1x!tpu.dma_semaphore, #tpu.memory_space<semaphore_mem>>
    %dma_wait3A_80 = tpu.memref_squeeze %dma_wait3A_79 : memref<1x!tpu.dma_semaphore, #tpu.memory_space<semaphore_mem>> -> memref<!tpu.dma_semaphore, #tpu.memory_space<semaphore_mem>>
    tpu.wait_indirect_dma semaphore(%dma_wait3A_80 : memref<!tpu.dma_semaphore, #tpu.memory_space<semaphore_mem>>) src(%dma_wait3A_72 : memref<128x128xf32, #tpu.memory_space<vmem>>) dst(%dma_wait3A_78 : memref<4224x128xf32, #tpu.memory_space<vmem_shared>>)
    %dma_wait3A_81 = arith.constant 2 : i32
    %dma_wait3A_82 = arith.constant 62 : i32
    %dma_wait3A_83 = arith.constant 2 : i32
    %dma_wait3A_84 = arith.constant 0 : i32
    %dma_wait3A_85 = arith.constant 0 : i32
    %dma_wait3A_86 = tpu.memref_slice %arg9[%dma_wait3A_81, %dma_wait3A_84, %dma_wait3A_85] : memref<4x128x128xf32, #tpu.memory_space<vmem>> -> memref<1x128x128xf32, #tpu.memory_space<vmem>>
    %dma_wait3A_87 = tpu.memref_squeeze %dma_wait3A_86 : memref<1x128x128xf32, #tpu.memory_space<vmem>> -> memref<128x128xf32, #tpu.memory_space<vmem>>
    %dma_wait3A_88 = arith.constant 0 : i32
    %dma_wait3A_89 = tpu.memref_slice %arg8[%dma_wait3A_82, %dma_wait3A_88] : memref<64x128xi32, #tpu.memory_space<vmem>> -> memref<1x128xi32, #tpu.memory_space<vmem>>
    %dma_wait3A_90 = tpu.memref_squeeze %dma_wait3A_89 : memref<1x128xi32, #tpu.memory_space<vmem>> -> memref<128xi32, #tpu.memory_space<vmem>>
    %dma_wait3A_91 = arith.constant 0 : i32
    %dma_wait3A_92 = arith.constant 0 : i32
    %dma_wait3A_93 = tpu.memref_slice %arg10[%dma_wait3A_91, %dma_wait3A_92] : memref<4224x128xf32, #tpu.memory_space<vmem_shared>> -> memref<4224x128xf32, #tpu.memory_space<vmem_shared>>
    %dma_wait3A_94 = tpu.memref_slice %arg12[%dma_wait3A_83] : memref<4x!tpu.dma_semaphore, #tpu.memory_space<semaphore_mem>> -> memref<1x!tpu.dma_semaphore, #tpu.memory_space<semaphore_mem>>
    %dma_wait3A_95 = tpu.memref_squeeze %dma_wait3A_94 : memref<1x!tpu.dma_semaphore, #tpu.memory_space<semaphore_mem>> -> memref<!tpu.dma_semaphore, #tpu.memory_space<semaphore_mem>>
    tpu.wait_indirect_dma semaphore(%dma_wait3A_95 : memref<!tpu.dma_semaphore, #tpu.memory_space<semaphore_mem>>) src(%dma_wait3A_87 : memref<128x128xf32, #tpu.memory_space<vmem>>) dst(%dma_wait3A_93 : memref<4224x128xf32, #tpu.memory_space<vmem_shared>>)
    %dma_wait3A_96 = arith.constant 3 : i32
    %dma_wait3A_97 = arith.constant 63 : i32
    %dma_wait3A_98 = arith.constant 3 : i32
    %dma_wait3A_99 = arith.constant 0 : i32
    %dma_wait3A_100 = arith.constant 0 : i32
    %dma_wait3A_101 = tpu.memref_slice %arg9[%dma_wait3A_96, %dma_wait3A_99, %dma_wait3A_100] : memref<4x128x128xf32, #tpu.memory_space<vmem>> -> memref<1x128x128xf32, #tpu.memory_space<vmem>>
    %dma_wait3A_102 = tpu.memref_squeeze %dma_wait3A_101 : memref<1x128x128xf32, #tpu.memory_space<vmem>> -> memref<128x128xf32, #tpu.memory_space<vmem>>
    %dma_wait3A_103 = arith.constant 0 : i32
    %dma_wait3A_104 = tpu.memref_slice %arg8[%dma_wait3A_97, %dma_wait3A_103] : memref<64x128xi32, #tpu.memory_space<vmem>> -> memref<1x128xi32, #tpu.memory_space<vmem>>
    %dma_wait3A_105 = tpu.memref_squeeze %dma_wait3A_104 : memref<1x128xi32, #tpu.memory_space<vmem>> -> memref<128xi32, #tpu.memory_space<vmem>>
    %dma_wait3A_106 = arith.constant 0 : i32
    %dma_wait3A_107 = arith.constant 0 : i32
    %dma_wait3A_108 = tpu.memref_slice %arg10[%dma_wait3A_106, %dma_wait3A_107] : memref<4224x128xf32, #tpu.memory_space<vmem_shared>> -> memref<4224x128xf32, #tpu.memory_space<vmem_shared>>
    %dma_wait3A_109 = tpu.memref_slice %arg12[%dma_wait3A_98] : memref<4x!tpu.dma_semaphore, #tpu.memory_space<semaphore_mem>> -> memref<1x!tpu.dma_semaphore, #tpu.memory_space<semaphore_mem>>
    %dma_wait3A_110 = tpu.memref_squeeze %dma_wait3A_109 : memref<1x!tpu.dma_semaphore, #tpu.memory_space<semaphore_mem>> -> memref<!tpu.dma_semaphore, #tpu.memory_space<semaphore_mem>>
    tpu.wait_indirect_dma semaphore(%dma_wait3A_110 : memref<!tpu.dma_semaphore, #tpu.memory_space<semaphore_mem>>) src(%dma_wait3A_102 : memref<128x128xf32, #tpu.memory_space<vmem>>) dst(%dma_wait3A_108 : memref<4224x128xf32, #tpu.memory_space<vmem_shared>>)
    %barrier3A_111 = arith.constant 0 : index
    tpu.barrier barrier_id(%barrier3A_111)
    %mul3A_112 = arith.constant 256 : i32
    %mul3A_113 = arith.muli %arg1, %mul3A_112 : i32
    %mul3A_114 = arith.constant 256 : i32
    %mul3A_115 = arith.muli %arg1, %mul3A_114 : i32
    "tpu.region"() ({
      %run_scoped3A = tpu.sem_alloc : memref<!tpu.dma_semaphore, #tpu.memory_space<semaphore_mem>>
      %dma_start3A_116 = arith.constant 0 : i32
      %dma_start3A_117 = tpu.memref_slice %arg6[%arg0, %mul3A_115, %dma_start3A_116] : memref<2x4096x128xf32, #tpu.memory_space<hbm>> -> memref<1x256x128xf32, #tpu.memory_space<hbm>>
      %dma_start3A_118 = tpu.memref_squeeze %dma_start3A_117 : memref<1x256x128xf32, #tpu.memory_space<hbm>> -> memref<256x128xf32, #tpu.memory_space<hbm>>
      %dma_start3A_119 = arith.constant 0 : i32
      %dma_start3A_120 = tpu.memref_slice %arg10[%mul3A_113, %dma_start3A_119] : memref<4224x128xf32, #tpu.memory_space<vmem_shared>> -> memref<256x128xf32, #tpu.memory_space<vmem_shared>>
      tpu.enqueue_dma source(%dma_start3A_120 : memref<256x128xf32, #tpu.memory_space<vmem_shared>>) target(%dma_start3A_118 : memref<256x128xf32, #tpu.memory_space<hbm>>) target_semaphore(%run_scoped3A : memref<!tpu.dma_semaphore, #tpu.memory_space<semaphore_mem>>)
      %dma_wait3A_121 = arith.constant 0 : i32
      %dma_wait3A_122 = tpu.memref_slice %arg6[%arg0, %mul3A_115, %dma_wait3A_121] : memref<2x4096x128xf32, #tpu.memory_space<hbm>> -> memref<1x256x128xf32, #tpu.memory_space<hbm>>
      %dma_wait3A_123 = tpu.memref_squeeze %dma_wait3A_122 : memref<1x256x128xf32, #tpu.memory_space<hbm>> -> memref<256x128xf32, #tpu.memory_space<hbm>>
      %dma_wait3A_124 = arith.constant 0 : i32
      %dma_wait3A_125 = tpu.memref_slice %arg10[%mul3A_113, %dma_wait3A_124] : memref<4224x128xf32, #tpu.memory_space<vmem_shared>> -> memref<256x128xf32, #tpu.memory_space<vmem_shared>>
      tpu.wait_dma2 semaphore(%run_scoped3A : memref<!tpu.dma_semaphore, #tpu.memory_space<semaphore_mem>>) src(%dma_wait3A_125 : memref<256x128xf32, #tpu.memory_space<vmem_shared>>) dst(%dma_wait3A_123 : memref<256x128xf32, #tpu.memory_space<hbm>>)
      tpu.yield
    }) : () -> ()
    return
  }
}

#map = affine_map<(d0, d1) -> (0, 0)>
#map1 = affine_map<(d0, d1) -> (0, 0, 0, 0)>
#map2 = affine_map<(d0, d1) -> (0, 0, 0)>
module attributes {stable_mosaic.version = 14 : i64} {
  func.func @agg(%arg0: i32, %arg1: i32, %arg2: memref<8192x128xf32, #tpu.memory_space<hbm>>, %arg3: memref<2x16x64x128xi32, #tpu.memory_space<hbm>>, %arg4: memref<2x16x64x128xi32, #tpu.memory_space<hbm>>, %arg5: memref<4224x128xf32, #tpu.memory_space<hbm>>, %arg6: memref<2x4096x128xf32, #tpu.memory_space<hbm>>, %arg7: memref<64x128xi32, #tpu.memory_space<vmem>>, %arg8: memref<64x128xi32, #tpu.memory_space<vmem>>, %arg9: memref<4x128x128xf32, #tpu.memory_space<vmem>>, %arg10: memref<4224x128xf32, #tpu.memory_space<vmem_shared>>, %arg11: memref<4x!tpu.dma_semaphore, #tpu.memory_space<semaphore_mem>>, %arg12: memref<4x!tpu.dma_semaphore, #tpu.memory_space<semaphore_mem>>) attributes {dimension_semantics = [#tpu.dimension_semantics<core_parallel>, #tpu.dimension_semantics<subcore_parallel>], iteration_bounds = array<i64: 2, 16>, scalar_prefetch = 0 : i64, scratch_operands = 6 : i64, tpu.core_type = #tpu.core_type<sc_vector_subcore>, window_params = [{transform_indices = #map}, {transform_indices = #map1}, {transform_indices = #map1}, {transform_indices = #map}, {transform_indices = #map2}]} {
    %mul3A = arith.constant 264 : i32
    %mul3A_0 = arith.muli %arg1, %mul3A : i32
    %mul3A_1 = arith.constant 264 : i32
    %mul3A_2 = arith.muli %arg1, %mul3A_1 : i32
    "tpu.region"() ({
      %run_scoped3A = tpu.sem_alloc : memref<!tpu.dma_semaphore, #tpu.memory_space<semaphore_mem>>
      %dma_start3A_116 = arith.constant 0 : i32
      %dma_start3A_117 = tpu.memref_slice %arg10[%mul3A_2, %dma_start3A_116] : memref<4224x128xf32, #tpu.memory_space<vmem_shared>> -> memref<264x128xf32, #tpu.memory_space<vmem_shared>>
      %dma_start3A_118 = arith.constant 0 : i32
      %dma_start3A_119 = tpu.memref_slice %arg5[%mul3A_0, %dma_start3A_118] : memref<4224x128xf32, #tpu.memory_space<hbm>> -> memref<264x128xf32, #tpu.memory_space<hbm>>
      tpu.enqueue_dma source(%dma_start3A_119 : memref<264x128xf32, #tpu.memory_space<hbm>>) target(%dma_start3A_117 : memref<264x128xf32, #tpu.memory_space<vmem_shared>>) target_semaphore(%run_scoped3A : memref<!tpu.dma_semaphore, #tpu.memory_space<semaphore_mem>>)
      %dma_wait3A_120 = arith.constant 0 : i32
      %dma_wait3A_121 = tpu.memref_slice %arg10[%mul3A_2, %dma_wait3A_120] : memref<4224x128xf32, #tpu.memory_space<vmem_shared>> -> memref<264x128xf32, #tpu.memory_space<vmem_shared>>
      %dma_wait3A_122 = arith.constant 0 : i32
      %dma_wait3A_123 = tpu.memref_slice %arg5[%mul3A_0, %dma_wait3A_122] : memref<4224x128xf32, #tpu.memory_space<hbm>> -> memref<264x128xf32, #tpu.memory_space<hbm>>
      tpu.wait_dma2 semaphore(%run_scoped3A : memref<!tpu.dma_semaphore, #tpu.memory_space<semaphore_mem>>) src(%dma_wait3A_123 : memref<264x128xf32, #tpu.memory_space<hbm>>) dst(%dma_wait3A_121 : memref<264x128xf32, #tpu.memory_space<vmem_shared>>)
      tpu.yield
    }) : () -> ()
    "tpu.region"() ({
      %run_scoped3A = tpu.sem_alloc : memref<!tpu.dma_semaphore, #tpu.memory_space<semaphore_mem>>
      %dma_start3A_116 = arith.constant 0 : i32
      %dma_start3A_117 = arith.constant 0 : i32
      %dma_start3A_118 = tpu.memref_slice %arg3[%arg0, %arg1, %dma_start3A_116, %dma_start3A_117] : memref<2x16x64x128xi32, #tpu.memory_space<hbm>> -> memref<1x1x64x128xi32, #tpu.memory_space<hbm>>
      %dma_start3A_119 = tpu.memref_squeeze %dma_start3A_118 : memref<1x1x64x128xi32, #tpu.memory_space<hbm>> -> memref<64x128xi32, #tpu.memory_space<hbm>>
      %dma_start3A_120 = arith.constant 0 : i32
      %dma_start3A_121 = arith.constant 0 : i32
      %dma_start3A_122 = tpu.memref_slice %arg3[%arg0, %arg1, %dma_start3A_120, %dma_start3A_121] : memref<2x16x64x128xi32, #tpu.memory_space<hbm>> -> memref<1x1x64x128xi32, #tpu.memory_space<hbm>>
      %dma_start3A_123 = tpu.memref_squeeze %dma_start3A_122 : memref<1x1x64x128xi32, #tpu.memory_space<hbm>> -> memref<64x128xi32, #tpu.memory_space<hbm>>
      tpu.enqueue_dma source(%dma_start3A_123 : memref<64x128xi32, #tpu.memory_space<hbm>>) target(%arg7 : memref<64x128xi32, #tpu.memory_space<vmem>>) target_semaphore(%run_scoped3A : memref<!tpu.dma_semaphore, #tpu.memory_space<semaphore_mem>>)
      %dma_wait3A_124 = arith.constant 0 : i32
      %dma_wait3A_125 = arith.constant 0 : i32
      %dma_wait3A_126 = tpu.memref_slice %arg3[%arg0, %arg1, %dma_wait3A_124, %dma_wait3A_125] : memref<2x16x64x128xi32, #tpu.memory_space<hbm>> -> memref<1x1x64x128xi32, #tpu.memory_space<hbm>>
      %dma_wait3A_127 = tpu.memref_squeeze %dma_wait3A_126 : memref<1x1x64x128xi32, #tpu.memory_space<hbm>> -> memref<64x128xi32, #tpu.memory_space<hbm>>
      %dma_wait3A_128 = arith.constant 0 : i32
      %dma_wait3A_129 = arith.constant 0 : i32
      %dma_wait3A_130 = tpu.memref_slice %arg3[%arg0, %arg1, %dma_wait3A_128, %dma_wait3A_129] : memref<2x16x64x128xi32, #tpu.memory_space<hbm>> -> memref<1x1x64x128xi32, #tpu.memory_space<hbm>>
      %dma_wait3A_131 = tpu.memref_squeeze %dma_wait3A_130 : memref<1x1x64x128xi32, #tpu.memory_space<hbm>> -> memref<64x128xi32, #tpu.memory_space<hbm>>
      tpu.wait_dma2 semaphore(%run_scoped3A : memref<!tpu.dma_semaphore, #tpu.memory_space<semaphore_mem>>) src(%dma_wait3A_131 : memref<64x128xi32, #tpu.memory_space<hbm>>) dst(%arg7 : memref<64x128xi32, #tpu.memory_space<vmem>>)
      tpu.yield
    }) : () -> ()
    "tpu.region"() ({
      %run_scoped3A = tpu.sem_alloc : memref<!tpu.dma_semaphore, #tpu.memory_space<semaphore_mem>>
      %dma_start3A_116 = arith.constant 0 : i32
      %dma_start3A_117 = arith.constant 0 : i32
      %dma_start3A_118 = tpu.memref_slice %arg4[%arg0, %arg1, %dma_start3A_116, %dma_start3A_117] : memref<2x16x64x128xi32, #tpu.memory_space<hbm>> -> memref<1x1x64x128xi32, #tpu.memory_space<hbm>>
      %dma_start3A_119 = tpu.memref_squeeze %dma_start3A_118 : memref<1x1x64x128xi32, #tpu.memory_space<hbm>> -> memref<64x128xi32, #tpu.memory_space<hbm>>
      %dma_start3A_120 = arith.constant 0 : i32
      %dma_start3A_121 = arith.constant 0 : i32
      %dma_start3A_122 = tpu.memref_slice %arg4[%arg0, %arg1, %dma_start3A_120, %dma_start3A_121] : memref<2x16x64x128xi32, #tpu.memory_space<hbm>> -> memref<1x1x64x128xi32, #tpu.memory_space<hbm>>
      %dma_start3A_123 = tpu.memref_squeeze %dma_start3A_122 : memref<1x1x64x128xi32, #tpu.memory_space<hbm>> -> memref<64x128xi32, #tpu.memory_space<hbm>>
      tpu.enqueue_dma source(%dma_start3A_123 : memref<64x128xi32, #tpu.memory_space<hbm>>) target(%arg8 : memref<64x128xi32, #tpu.memory_space<vmem>>) target_semaphore(%run_scoped3A : memref<!tpu.dma_semaphore, #tpu.memory_space<semaphore_mem>>)
      %dma_wait3A_124 = arith.constant 0 : i32
      %dma_wait3A_125 = arith.constant 0 : i32
      %dma_wait3A_126 = tpu.memref_slice %arg4[%arg0, %arg1, %dma_wait3A_124, %dma_wait3A_125] : memref<2x16x64x128xi32, #tpu.memory_space<hbm>> -> memref<1x1x64x128xi32, #tpu.memory_space<hbm>>
      %dma_wait3A_127 = tpu.memref_squeeze %dma_wait3A_126 : memref<1x1x64x128xi32, #tpu.memory_space<hbm>> -> memref<64x128xi32, #tpu.memory_space<hbm>>
      %dma_wait3A_128 = arith.constant 0 : i32
      %dma_wait3A_129 = arith.constant 0 : i32
      %dma_wait3A_130 = tpu.memref_slice %arg4[%arg0, %arg1, %dma_wait3A_128, %dma_wait3A_129] : memref<2x16x64x128xi32, #tpu.memory_space<hbm>> -> memref<1x1x64x128xi32, #tpu.memory_space<hbm>>
      %dma_wait3A_131 = tpu.memref_squeeze %dma_wait3A_130 : memref<1x1x64x128xi32, #tpu.memory_space<hbm>> -> memref<64x128xi32, #tpu.memory_space<hbm>>
      tpu.wait_dma2 semaphore(%run_scoped3A : memref<!tpu.dma_semaphore, #tpu.memory_space<semaphore_mem>>) src(%dma_wait3A_131 : memref<64x128xi32, #tpu.memory_space<hbm>>) dst(%arg8 : memref<64x128xi32, #tpu.memory_space<vmem>>)
      tpu.yield
    }) : () -> ()
    %barrier3A = arith.constant 0 : index
    tpu.barrier barrier_id(%barrier3A)
    %dma_start3A = arith.constant 0 : i32
    %dma_start3A_3 = arith.constant 0 : i32
    %dma_start3A_4 = arith.constant 0 : i32
    %dma_start3A_5 = arith.constant 0 : i32
    %dma_start3A_6 = arith.constant 0 : i32
    %dma_start3A_7 = tpu.memref_slice %arg9[%dma_start3A_3, %dma_start3A_5, %dma_start3A_6] : memref<4x128x128xf32, #tpu.memory_space<vmem>> -> memref<1x128x128xf32, #tpu.memory_space<vmem>>
    %dma_start3A_8 = tpu.memref_squeeze %dma_start3A_7 : memref<1x128x128xf32, #tpu.memory_space<vmem>> -> memref<128x128xf32, #tpu.memory_space<vmem>>
    %dma_start3A_9 = arith.constant 0 : i32
    %dma_start3A_10 = tpu.memref_slice %arg7[%dma_start3A, %dma_start3A_9] : memref<64x128xi32, #tpu.memory_space<vmem>> -> memref<1x128xi32, #tpu.memory_space<vmem>>
    %dma_start3A_11 = tpu.memref_squeeze %dma_start3A_10 : memref<1x128xi32, #tpu.memory_space<vmem>> -> memref<128xi32, #tpu.memory_space<vmem>>
    %dma_start3A_12 = arith.constant 0 : i32
    %dma_start3A_13 = arith.constant 0 : i32
    %dma_start3A_14 = tpu.memref_slice %arg2[%dma_start3A_12, %dma_start3A_13] : memref<8192x128xf32, #tpu.memory_space<hbm>> -> memref<8192x128xf32, #tpu.memory_space<hbm>>
    %dma_start3A_15 = tpu.memref_slice %arg11[%dma_start3A_4] : memref<4x!tpu.dma_semaphore, #tpu.memory_space<semaphore_mem>> -> memref<1x!tpu.dma_semaphore, #tpu.memory_space<semaphore_mem>>
    %dma_start3A_16 = tpu.memref_squeeze %dma_start3A_15 : memref<1x!tpu.dma_semaphore, #tpu.memory_space<semaphore_mem>> -> memref<!tpu.dma_semaphore, #tpu.memory_space<semaphore_mem>>
    tpu.enqueue_indirect_dma source(%dma_start3A_14 : memref<8192x128xf32, #tpu.memory_space<hbm>>) target(%dma_start3A_8 : memref<128x128xf32, #tpu.memory_space<vmem>>) offsets(%dma_start3A_11 : memref<128xi32, #tpu.memory_space<vmem>>) semaphore(%dma_start3A_16 : memref<!tpu.dma_semaphore, #tpu.memory_space<semaphore_mem>>)
    %dma_start3A_17 = arith.constant 1 : i32
    %dma_start3A_18 = arith.constant 1 : i32
    %dma_start3A_19 = arith.constant 1 : i32
    %dma_start3A_20 = arith.constant 0 : i32
    %dma_start3A_21 = arith.constant 0 : i32
    %dma_start3A_22 = tpu.memref_slice %arg9[%dma_start3A_18, %dma_start3A_20, %dma_start3A_21] : memref<4x128x128xf32, #tpu.memory_space<vmem>> -> memref<1x128x128xf32, #tpu.memory_space<vmem>>
    %dma_start3A_23 = tpu.memref_squeeze %dma_start3A_22 : memref<1x128x128xf32, #tpu.memory_space<vmem>> -> memref<128x128xf32, #tpu.memory_space<vmem>>
    %dma_start3A_24 = arith.constant 0 : i32
    %dma_start3A_25 = tpu.memref_slice %arg7[%dma_start3A_17, %dma_start3A_24] : memref<64x128xi32, #tpu.memory_space<vmem>> -> memref<1x128xi32, #tpu.memory_space<vmem>>
    %dma_start3A_26 = tpu.memref_squeeze %dma_start3A_25 : memref<1x128xi32, #tpu.memory_space<vmem>> -> memref<128xi32, #tpu.memory_space<vmem>>
    %dma_start3A_27 = arith.constant 0 : i32
    %dma_start3A_28 = arith.constant 0 : i32
    %dma_start3A_29 = tpu.memref_slice %arg2[%dma_start3A_27, %dma_start3A_28] : memref<8192x128xf32, #tpu.memory_space<hbm>> -> memref<8192x128xf32, #tpu.memory_space<hbm>>
    %dma_start3A_30 = tpu.memref_slice %arg11[%dma_start3A_19] : memref<4x!tpu.dma_semaphore, #tpu.memory_space<semaphore_mem>> -> memref<1x!tpu.dma_semaphore, #tpu.memory_space<semaphore_mem>>
    %dma_start3A_31 = tpu.memref_squeeze %dma_start3A_30 : memref<1x!tpu.dma_semaphore, #tpu.memory_space<semaphore_mem>> -> memref<!tpu.dma_semaphore, #tpu.memory_space<semaphore_mem>>
    tpu.enqueue_indirect_dma source(%dma_start3A_29 : memref<8192x128xf32, #tpu.memory_space<hbm>>) target(%dma_start3A_23 : memref<128x128xf32, #tpu.memory_space<vmem>>) offsets(%dma_start3A_26 : memref<128xi32, #tpu.memory_space<vmem>>) semaphore(%dma_start3A_31 : memref<!tpu.dma_semaphore, #tpu.memory_space<semaphore_mem>>)
    %dma_start3A_32 = arith.constant 2 : i32
    %dma_start3A_33 = arith.constant 2 : i32
    %dma_start3A_34 = arith.constant 2 : i32
    %dma_start3A_35 = arith.constant 0 : i32
    %dma_start3A_36 = arith.constant 0 : i32
    %dma_start3A_37 = tpu.memref_slice %arg9[%dma_start3A_33, %dma_start3A_35, %dma_start3A_36] : memref<4x128x128xf32, #tpu.memory_space<vmem>> -> memref<1x128x128xf32, #tpu.memory_space<vmem>>
    %dma_start3A_38 = tpu.memref_squeeze %dma_start3A_37 : memref<1x128x128xf32, #tpu.memory_space<vmem>> -> memref<128x128xf32, #tpu.memory_space<vmem>>
    %dma_start3A_39 = arith.constant 0 : i32
    %dma_start3A_40 = tpu.memref_slice %arg7[%dma_start3A_32, %dma_start3A_39] : memref<64x128xi32, #tpu.memory_space<vmem>> -> memref<1x128xi32, #tpu.memory_space<vmem>>
    %dma_start3A_41 = tpu.memref_squeeze %dma_start3A_40 : memref<1x128xi32, #tpu.memory_space<vmem>> -> memref<128xi32, #tpu.memory_space<vmem>>
    %dma_start3A_42 = arith.constant 0 : i32
    %dma_start3A_43 = arith.constant 0 : i32
    %dma_start3A_44 = tpu.memref_slice %arg2[%dma_start3A_42, %dma_start3A_43] : memref<8192x128xf32, #tpu.memory_space<hbm>> -> memref<8192x128xf32, #tpu.memory_space<hbm>>
    %dma_start3A_45 = tpu.memref_slice %arg11[%dma_start3A_34] : memref<4x!tpu.dma_semaphore, #tpu.memory_space<semaphore_mem>> -> memref<1x!tpu.dma_semaphore, #tpu.memory_space<semaphore_mem>>
    %dma_start3A_46 = tpu.memref_squeeze %dma_start3A_45 : memref<1x!tpu.dma_semaphore, #tpu.memory_space<semaphore_mem>> -> memref<!tpu.dma_semaphore, #tpu.memory_space<semaphore_mem>>
    tpu.enqueue_indirect_dma source(%dma_start3A_44 : memref<8192x128xf32, #tpu.memory_space<hbm>>) target(%dma_start3A_38 : memref<128x128xf32, #tpu.memory_space<vmem>>) offsets(%dma_start3A_41 : memref<128xi32, #tpu.memory_space<vmem>>) semaphore(%dma_start3A_46 : memref<!tpu.dma_semaphore, #tpu.memory_space<semaphore_mem>>)
    %scan3A = arith.constant 0 : i32
    %scan3A_47 = arith.constant 0 : i32
    %scan3A_48 = arith.constant 64 : i32
    %scan3A_49 = arith.addi %scan3A_47, %scan3A_48 : i32
    %scan3A_50 = arith.constant 1 : i32
    scf.for %scan3A_116 = %scan3A_47 to %scan3A_49 step %scan3A_50  : i32 {
      %rem3A = arith.constant 4 : i32
      %rem3A_117 = arith.remsi %scan3A_116, %rem3A : i32
      %add3A = arith.constant 4 : i32
      %add3A_118 = arith.addi %scan3A_116, %add3A : i32
      %sub3A = arith.constant 1 : i32
      %sub3A_119 = arith.subi %add3A_118, %sub3A : i32
      %rem3A_120 = arith.constant 4 : i32
      %rem3A_121 = arith.remsi %sub3A_119, %rem3A_120 : i32
      %add3A_122 = arith.constant 4 : i32
      %add3A_123 = arith.addi %scan3A_116, %add3A_122 : i32
      %sub3A_124 = arith.constant 1 : i32
      %sub3A_125 = arith.subi %add3A_123, %sub3A_124 : i32
      %lt3A = arith.constant 64 : i32
      %lt3A_126 = arith.cmpi slt, %sub3A_125, %lt3A : i32
      %convert_element_type3A = arith.extui %lt3A_126 : i1 to i32
      %cond3A = arith.constant 0 : i32
      %cond3A_127 = arith.cmpi ne, %convert_element_type3A, %cond3A : i32
      scf.if %cond3A_127 {
        %ge3A = arith.constant 1 : i32
        %ge3A_152 = arith.cmpi sge, %scan3A_116, %ge3A : i32
        %convert_element_type3A_153 = arith.extui %ge3A_152 : i1 to i32
        %cond3A_154 = arith.constant 0 : i32
        %cond3A_155 = arith.cmpi ne, %convert_element_type3A_153, %cond3A_154 : i32
        scf.if %cond3A_155 {
          %sub3A_172 = arith.constant 1 : i32
          %sub3A_173 = arith.subi %scan3A_116, %sub3A_172 : i32
          %dma_wait3A_174 = arith.constant 0 : i32
          %dma_wait3A_175 = arith.constant 0 : i32
          %dma_wait3A_176 = tpu.memref_slice %arg9[%rem3A_121, %dma_wait3A_174, %dma_wait3A_175] : memref<4x128x128xf32, #tpu.memory_space<vmem>> -> memref<1x128x128xf32, #tpu.memory_space<vmem>>
          %dma_wait3A_177 = tpu.memref_squeeze %dma_wait3A_176 : memref<1x128x128xf32, #tpu.memory_space<vmem>> -> memref<128x128xf32, #tpu.memory_space<vmem>>
          %dma_wait3A_178 = arith.constant 0 : i32
          %dma_wait3A_179 = tpu.memref_slice %arg8[%sub3A_173, %dma_wait3A_178] : memref<64x128xi32, #tpu.memory_space<vmem>> -> memref<1x128xi32, #tpu.memory_space<vmem>>
          %dma_wait3A_180 = tpu.memref_squeeze %dma_wait3A_179 : memref<1x128xi32, #tpu.memory_space<vmem>> -> memref<128xi32, #tpu.memory_space<vmem>>
          %dma_wait3A_181 = arith.constant 0 : i32
          %dma_wait3A_182 = arith.constant 0 : i32
          %dma_wait3A_183 = tpu.memref_slice %arg10[%dma_wait3A_181, %dma_wait3A_182] : memref<4224x128xf32, #tpu.memory_space<vmem_shared>> -> memref<4224x128xf32, #tpu.memory_space<vmem_shared>>
          %dma_wait3A_184 = tpu.memref_slice %arg12[%rem3A_121] : memref<4x!tpu.dma_semaphore, #tpu.memory_space<semaphore_mem>> -> memref<1x!tpu.dma_semaphore, #tpu.memory_space<semaphore_mem>>
          %dma_wait3A_185 = tpu.memref_squeeze %dma_wait3A_184 : memref<1x!tpu.dma_semaphore, #tpu.memory_space<semaphore_mem>> -> memref<!tpu.dma_semaphore, #tpu.memory_space<semaphore_mem>>
          tpu.wait_indirect_dma semaphore(%dma_wait3A_185 : memref<!tpu.dma_semaphore, #tpu.memory_space<semaphore_mem>>) src(%dma_wait3A_177 : memref<128x128xf32, #tpu.memory_space<vmem>>) dst(%dma_wait3A_183 : memref<4224x128xf32, #tpu.memory_space<vmem_shared>>)
        } else {
        }
        %add3A_156 = arith.constant 4 : i32
        %add3A_157 = arith.addi %scan3A_116, %add3A_156 : i32
        %sub3A_158 = arith.constant 1 : i32
        %sub3A_159 = arith.subi %add3A_157, %sub3A_158 : i32
        %dma_start3A_160 = arith.constant 0 : i32
        %dma_start3A_161 = arith.constant 0 : i32
        %dma_start3A_162 = tpu.memref_slice %arg9[%rem3A_121, %dma_start3A_160, %dma_start3A_161] : memref<4x128x128xf32, #tpu.memory_space<vmem>> -> memref<1x128x128xf32, #tpu.memory_space<vmem>>
        %dma_start3A_163 = tpu.memref_squeeze %dma_start3A_162 : memref<1x128x128xf32, #tpu.memory_space<vmem>> -> memref<128x128xf32, #tpu.memory_space<vmem>>
        %dma_start3A_164 = arith.constant 0 : i32
        %dma_start3A_165 = tpu.memref_slice %arg7[%sub3A_159, %dma_start3A_164] : memref<64x128xi32, #tpu.memory_space<vmem>> -> memref<1x128xi32, #tpu.memory_space<vmem>>
        %dma_start3A_166 = tpu.memref_squeeze %dma_start3A_165 : memref<1x128xi32, #tpu.memory_space<vmem>> -> memref<128xi32, #tpu.memory_space<vmem>>
        %dma_start3A_167 = arith.constant 0 : i32
        %dma_start3A_168 = arith.constant 0 : i32
        %dma_start3A_169 = tpu.memref_slice %arg2[%dma_start3A_167, %dma_start3A_168] : memref<8192x128xf32, #tpu.memory_space<hbm>> -> memref<8192x128xf32, #tpu.memory_space<hbm>>
        %dma_start3A_170 = tpu.memref_slice %arg11[%rem3A_121] : memref<4x!tpu.dma_semaphore, #tpu.memory_space<semaphore_mem>> -> memref<1x!tpu.dma_semaphore, #tpu.memory_space<semaphore_mem>>
        %dma_start3A_171 = tpu.memref_squeeze %dma_start3A_170 : memref<1x!tpu.dma_semaphore, #tpu.memory_space<semaphore_mem>> -> memref<!tpu.dma_semaphore, #tpu.memory_space<semaphore_mem>>
        tpu.enqueue_indirect_dma source(%dma_start3A_169 : memref<8192x128xf32, #tpu.memory_space<hbm>>) target(%dma_start3A_163 : memref<128x128xf32, #tpu.memory_space<vmem>>) offsets(%dma_start3A_166 : memref<128xi32, #tpu.memory_space<vmem>>) semaphore(%dma_start3A_171 : memref<!tpu.dma_semaphore, #tpu.memory_space<semaphore_mem>>)
      } else {
      }
      %dma_wait3A_128 = arith.constant 0 : i32
      %dma_wait3A_129 = arith.constant 0 : i32
      %dma_wait3A_130 = tpu.memref_slice %arg9[%rem3A_117, %dma_wait3A_128, %dma_wait3A_129] : memref<4x128x128xf32, #tpu.memory_space<vmem>> -> memref<1x128x128xf32, #tpu.memory_space<vmem>>
      %dma_wait3A_131 = tpu.memref_squeeze %dma_wait3A_130 : memref<1x128x128xf32, #tpu.memory_space<vmem>> -> memref<128x128xf32, #tpu.memory_space<vmem>>
      %dma_wait3A_132 = arith.constant 0 : i32
      %dma_wait3A_133 = tpu.memref_slice %arg7[%scan3A_116, %dma_wait3A_132] : memref<64x128xi32, #tpu.memory_space<vmem>> -> memref<1x128xi32, #tpu.memory_space<vmem>>
      %dma_wait3A_134 = tpu.memref_squeeze %dma_wait3A_133 : memref<1x128xi32, #tpu.memory_space<vmem>> -> memref<128xi32, #tpu.memory_space<vmem>>
      %dma_wait3A_135 = arith.constant 0 : i32
      %dma_wait3A_136 = arith.constant 0 : i32
      %dma_wait3A_137 = tpu.memref_slice %arg2[%dma_wait3A_135, %dma_wait3A_136] : memref<8192x128xf32, #tpu.memory_space<hbm>> -> memref<8192x128xf32, #tpu.memory_space<hbm>>
      %dma_wait3A_138 = tpu.memref_slice %arg11[%rem3A_117] : memref<4x!tpu.dma_semaphore, #tpu.memory_space<semaphore_mem>> -> memref<1x!tpu.dma_semaphore, #tpu.memory_space<semaphore_mem>>
      %dma_wait3A_139 = tpu.memref_squeeze %dma_wait3A_138 : memref<1x!tpu.dma_semaphore, #tpu.memory_space<semaphore_mem>> -> memref<!tpu.dma_semaphore, #tpu.memory_space<semaphore_mem>>
      tpu.wait_indirect_dma semaphore(%dma_wait3A_139 : memref<!tpu.dma_semaphore, #tpu.memory_space<semaphore_mem>>) src(%dma_wait3A_137 : memref<8192x128xf32, #tpu.memory_space<hbm>>) dst(%dma_wait3A_131 : memref<128x128xf32, #tpu.memory_space<vmem>>)
      %dma_start3A_140 = arith.constant 0 : i32
      %dma_start3A_141 = arith.constant 0 : i32
      %dma_start3A_142 = tpu.memref_slice %arg9[%rem3A_117, %dma_start3A_140, %dma_start3A_141] : memref<4x128x128xf32, #tpu.memory_space<vmem>> -> memref<1x128x128xf32, #tpu.memory_space<vmem>>
      %dma_start3A_143 = tpu.memref_squeeze %dma_start3A_142 : memref<1x128x128xf32, #tpu.memory_space<vmem>> -> memref<128x128xf32, #tpu.memory_space<vmem>>
      %dma_start3A_144 = arith.constant 0 : i32
      %dma_start3A_145 = tpu.memref_slice %arg8[%scan3A_116, %dma_start3A_144] : memref<64x128xi32, #tpu.memory_space<vmem>> -> memref<1x128xi32, #tpu.memory_space<vmem>>
      %dma_start3A_146 = tpu.memref_squeeze %dma_start3A_145 : memref<1x128xi32, #tpu.memory_space<vmem>> -> memref<128xi32, #tpu.memory_space<vmem>>
      %dma_start3A_147 = arith.constant 0 : i32
      %dma_start3A_148 = arith.constant 0 : i32
      %dma_start3A_149 = tpu.memref_slice %arg10[%dma_start3A_147, %dma_start3A_148] : memref<4224x128xf32, #tpu.memory_space<vmem_shared>> -> memref<4224x128xf32, #tpu.memory_space<vmem_shared>>
      %dma_start3A_150 = tpu.memref_slice %arg12[%rem3A_117] : memref<4x!tpu.dma_semaphore, #tpu.memory_space<semaphore_mem>> -> memref<1x!tpu.dma_semaphore, #tpu.memory_space<semaphore_mem>>
      %dma_start3A_151 = tpu.memref_squeeze %dma_start3A_150 : memref<1x!tpu.dma_semaphore, #tpu.memory_space<semaphore_mem>> -> memref<!tpu.dma_semaphore, #tpu.memory_space<semaphore_mem>>
      tpu.enqueue_indirect_dma source(%dma_start3A_143 : memref<128x128xf32, #tpu.memory_space<vmem>>) target(%dma_start3A_149 : memref<4224x128xf32, #tpu.memory_space<vmem_shared>>) offsets(%dma_start3A_146 : memref<128xi32, #tpu.memory_space<vmem>>) semaphore(%dma_start3A_151 : memref<!tpu.dma_semaphore, #tpu.memory_space<semaphore_mem>>) {add = true}
    }
    %scan3A_51 = arith.constant 64 : i32
    %dma_wait3A = arith.constant 0 : i32
    %dma_wait3A_52 = arith.constant 60 : i32
    %dma_wait3A_53 = arith.constant 0 : i32
    %dma_wait3A_54 = arith.constant 0 : i32
    %dma_wait3A_55 = arith.constant 0 : i32
    %dma_wait3A_56 = tpu.memref_slice %arg9[%dma_wait3A, %dma_wait3A_54, %dma_wait3A_55] : memref<4x128x128xf32, #tpu.memory_space<vmem>> -> memref<1x128x128xf32, #tpu.memory_space<vmem>>
    %dma_wait3A_57 = tpu.memref_squeeze %dma_wait3A_56 : memref<1x128x128xf32, #tpu.memory_space<vmem>> -> memref<128x128xf32, #tpu.memory_space<vmem>>
    %dma_wait3A_58 = arith.constant 0 : i32
    %dma_wait3A_59 = tpu.memref_slice %arg8[%dma_wait3A_52, %dma_wait3A_58] : memref<64x128xi32, #tpu.memory_space<vmem>> -> memref<1x128xi32, #tpu.memory_space<vmem>>
    %dma_wait3A_60 = tpu.memref_squeeze %dma_wait3A_59 : memref<1x128xi32, #tpu.memory_space<vmem>> -> memref<128xi32, #tpu.memory_space<vmem>>
    %dma_wait3A_61 = arith.constant 0 : i32
    %dma_wait3A_62 = arith.constant 0 : i32
    %dma_wait3A_63 = tpu.memref_slice %arg10[%dma_wait3A_61, %dma_wait3A_62] : memref<4224x128xf32, #tpu.memory_space<vmem_shared>> -> memref<4224x128xf32, #tpu.memory_space<vmem_shared>>
    %dma_wait3A_64 = tpu.memref_slice %arg12[%dma_wait3A_53] : memref<4x!tpu.dma_semaphore, #tpu.memory_space<semaphore_mem>> -> memref<1x!tpu.dma_semaphore, #tpu.memory_space<semaphore_mem>>
    %dma_wait3A_65 = tpu.memref_squeeze %dma_wait3A_64 : memref<1x!tpu.dma_semaphore, #tpu.memory_space<semaphore_mem>> -> memref<!tpu.dma_semaphore, #tpu.memory_space<semaphore_mem>>
    tpu.wait_indirect_dma semaphore(%dma_wait3A_65 : memref<!tpu.dma_semaphore, #tpu.memory_space<semaphore_mem>>) src(%dma_wait3A_57 : memref<128x128xf32, #tpu.memory_space<vmem>>) dst(%dma_wait3A_63 : memref<4224x128xf32, #tpu.memory_space<vmem_shared>>)
    %dma_wait3A_66 = arith.constant 1 : i32
    %dma_wait3A_67 = arith.constant 61 : i32
    %dma_wait3A_68 = arith.constant 1 : i32
    %dma_wait3A_69 = arith.constant 0 : i32
    %dma_wait3A_70 = arith.constant 0 : i32
    %dma_wait3A_71 = tpu.memref_slice %arg9[%dma_wait3A_66, %dma_wait3A_69, %dma_wait3A_70] : memref<4x128x128xf32, #tpu.memory_space<vmem>> -> memref<1x128x128xf32, #tpu.memory_space<vmem>>
    %dma_wait3A_72 = tpu.memref_squeeze %dma_wait3A_71 : memref<1x128x128xf32, #tpu.memory_space<vmem>> -> memref<128x128xf32, #tpu.memory_space<vmem>>
    %dma_wait3A_73 = arith.constant 0 : i32
    %dma_wait3A_74 = tpu.memref_slice %arg8[%dma_wait3A_67, %dma_wait3A_73] : memref<64x128xi32, #tpu.memory_space<vmem>> -> memref<1x128xi32, #tpu.memory_space<vmem>>
    %dma_wait3A_75 = tpu.memref_squeeze %dma_wait3A_74 : memref<1x128xi32, #tpu.memory_space<vmem>> -> memref<128xi32, #tpu.memory_space<vmem>>
    %dma_wait3A_76 = arith.constant 0 : i32
    %dma_wait3A_77 = arith.constant 0 : i32
    %dma_wait3A_78 = tpu.memref_slice %arg10[%dma_wait3A_76, %dma_wait3A_77] : memref<4224x128xf32, #tpu.memory_space<vmem_shared>> -> memref<4224x128xf32, #tpu.memory_space<vmem_shared>>
    %dma_wait3A_79 = tpu.memref_slice %arg12[%dma_wait3A_68] : memref<4x!tpu.dma_semaphore, #tpu.memory_space<semaphore_mem>> -> memref<1x!tpu.dma_semaphore, #tpu.memory_space<semaphore_mem>>
    %dma_wait3A_80 = tpu.memref_squeeze %dma_wait3A_79 : memref<1x!tpu.dma_semaphore, #tpu.memory_space<semaphore_mem>> -> memref<!tpu.dma_semaphore, #tpu.memory_space<semaphore_mem>>
    tpu.wait_indirect_dma semaphore(%dma_wait3A_80 : memref<!tpu.dma_semaphore, #tpu.memory_space<semaphore_mem>>) src(%dma_wait3A_72 : memref<128x128xf32, #tpu.memory_space<vmem>>) dst(%dma_wait3A_78 : memref<4224x128xf32, #tpu.memory_space<vmem_shared>>)
    %dma_wait3A_81 = arith.constant 2 : i32
    %dma_wait3A_82 = arith.constant 62 : i32
    %dma_wait3A_83 = arith.constant 2 : i32
    %dma_wait3A_84 = arith.constant 0 : i32
    %dma_wait3A_85 = arith.constant 0 : i32
    %dma_wait3A_86 = tpu.memref_slice %arg9[%dma_wait3A_81, %dma_wait3A_84, %dma_wait3A_85] : memref<4x128x128xf32, #tpu.memory_space<vmem>> -> memref<1x128x128xf32, #tpu.memory_space<vmem>>
    %dma_wait3A_87 = tpu.memref_squeeze %dma_wait3A_86 : memref<1x128x128xf32, #tpu.memory_space<vmem>> -> memref<128x128xf32, #tpu.memory_space<vmem>>
    %dma_wait3A_88 = arith.constant 0 : i32
    %dma_wait3A_89 = tpu.memref_slice %arg8[%dma_wait3A_82, %dma_wait3A_88] : memref<64x128xi32, #tpu.memory_space<vmem>> -> memref<1x128xi32, #tpu.memory_space<vmem>>
    %dma_wait3A_90 = tpu.memref_squeeze %dma_wait3A_89 : memref<1x128xi32, #tpu.memory_space<vmem>> -> memref<128xi32, #tpu.memory_space<vmem>>
    %dma_wait3A_91 = arith.constant 0 : i32
    %dma_wait3A_92 = arith.constant 0 : i32
    %dma_wait3A_93 = tpu.memref_slice %arg10[%dma_wait3A_91, %dma_wait3A_92] : memref<4224x128xf32, #tpu.memory_space<vmem_shared>> -> memref<4224x128xf32, #tpu.memory_space<vmem_shared>>
    %dma_wait3A_94 = tpu.memref_slice %arg12[%dma_wait3A_83] : memref<4x!tpu.dma_semaphore, #tpu.memory_space<semaphore_mem>> -> memref<1x!tpu.dma_semaphore, #tpu.memory_space<semaphore_mem>>
    %dma_wait3A_95 = tpu.memref_squeeze %dma_wait3A_94 : memref<1x!tpu.dma_semaphore, #tpu.memory_space<semaphore_mem>> -> memref<!tpu.dma_semaphore, #tpu.memory_space<semaphore_mem>>
    tpu.wait_indirect_dma semaphore(%dma_wait3A_95 : memref<!tpu.dma_semaphore, #tpu.memory_space<semaphore_mem>>) src(%dma_wait3A_87 : memref<128x128xf32, #tpu.memory_space<vmem>>) dst(%dma_wait3A_93 : memref<4224x128xf32, #tpu.memory_space<vmem_shared>>)
    %dma_wait3A_96 = arith.constant 3 : i32
    %dma_wait3A_97 = arith.constant 63 : i32
    %dma_wait3A_98 = arith.constant 3 : i32
    %dma_wait3A_99 = arith.constant 0 : i32
    %dma_wait3A_100 = arith.constant 0 : i32
    %dma_wait3A_101 = tpu.memref_slice %arg9[%dma_wait3A_96, %dma_wait3A_99, %dma_wait3A_100] : memref<4x128x128xf32, #tpu.memory_space<vmem>> -> memref<1x128x128xf32, #tpu.memory_space<vmem>>
    %dma_wait3A_102 = tpu.memref_squeeze %dma_wait3A_101 : memref<1x128x128xf32, #tpu.memory_space<vmem>> -> memref<128x128xf32, #tpu.memory_space<vmem>>
    %dma_wait3A_103 = arith.constant 0 : i32
    %dma_wait3A_104 = tpu.memref_slice %arg8[%dma_wait3A_97, %dma_wait3A_103] : memref<64x128xi32, #tpu.memory_space<vmem>> -> memref<1x128xi32, #tpu.memory_space<vmem>>
    %dma_wait3A_105 = tpu.memref_squeeze %dma_wait3A_104 : memref<1x128xi32, #tpu.memory_space<vmem>> -> memref<128xi32, #tpu.memory_space<vmem>>
    %dma_wait3A_106 = arith.constant 0 : i32
    %dma_wait3A_107 = arith.constant 0 : i32
    %dma_wait3A_108 = tpu.memref_slice %arg10[%dma_wait3A_106, %dma_wait3A_107] : memref<4224x128xf32, #tpu.memory_space<vmem_shared>> -> memref<4224x128xf32, #tpu.memory_space<vmem_shared>>
    %dma_wait3A_109 = tpu.memref_slice %arg12[%dma_wait3A_98] : memref<4x!tpu.dma_semaphore, #tpu.memory_space<semaphore_mem>> -> memref<1x!tpu.dma_semaphore, #tpu.memory_space<semaphore_mem>>
    %dma_wait3A_110 = tpu.memref_squeeze %dma_wait3A_109 : memref<1x!tpu.dma_semaphore, #tpu.memory_space<semaphore_mem>> -> memref<!tpu.dma_semaphore, #tpu.memory_space<semaphore_mem>>
    tpu.wait_indirect_dma semaphore(%dma_wait3A_110 : memref<!tpu.dma_semaphore, #tpu.memory_space<semaphore_mem>>) src(%dma_wait3A_102 : memref<128x128xf32, #tpu.memory_space<vmem>>) dst(%dma_wait3A_108 : memref<4224x128xf32, #tpu.memory_space<vmem_shared>>)
    %barrier3A_111 = arith.constant 0 : index
    tpu.barrier barrier_id(%barrier3A_111)
    %mul3A_112 = arith.constant 256 : i32
    %mul3A_113 = arith.muli %arg1, %mul3A_112 : i32
    %mul3A_114 = arith.constant 256 : i32
    %mul3A_115 = arith.muli %arg1, %mul3A_114 : i32
    "tpu.region"() ({
      %run_scoped3A = tpu.sem_alloc : memref<!tpu.dma_semaphore, #tpu.memory_space<semaphore_mem>>
      %dma_start3A_116 = arith.constant 0 : i32
      %dma_start3A_117 = tpu.memref_slice %arg6[%arg0, %mul3A_115, %dma_start3A_116] : memref<2x4096x128xf32, #tpu.memory_space<hbm>> -> memref<1x256x128xf32, #tpu.memory_space<hbm>>
      %dma_start3A_118 = tpu.memref_squeeze %dma_start3A_117 : memref<1x256x128xf32, #tpu.memory_space<hbm>> -> memref<256x128xf32, #tpu.memory_space<hbm>>
      %dma_start3A_119 = arith.constant 0 : i32
      %dma_start3A_120 = tpu.memref_slice %arg10[%mul3A_113, %dma_start3A_119] : memref<4224x128xf32, #tpu.memory_space<vmem_shared>> -> memref<256x128xf32, #tpu.memory_space<vmem_shared>>
      tpu.enqueue_dma source(%dma_start3A_120 : memref<256x128xf32, #tpu.memory_space<vmem_shared>>) target(%dma_start3A_118 : memref<256x128xf32, #tpu.memory_space<hbm>>) target_semaphore(%run_scoped3A : memref<!tpu.dma_semaphore, #tpu.memory_space<semaphore_mem>>)
      %dma_wait3A_121 = arith.constant 0 : i32
      %dma_wait3A_122 = tpu.memref_slice %arg6[%arg0, %mul3A_115, %dma_wait3A_121] : memref<2x4096x128xf32, #tpu.memory_space<hbm>> -> memref<1x256x128xf32, #tpu.memory_space<hbm>>
      %dma_wait3A_123 = tpu.memref_squeeze %dma_wait3A_122 : memref<1x256x128xf32, #tpu.memory_space<hbm>> -> memref<256x128xf32, #tpu.memory_space<hbm>>
      %dma_wait3A_124 = arith.constant 0 : i32
      %dma_wait3A_125 = tpu.memref_slice %arg10[%mul3A_113, %dma_wait3A_124] : memref<4224x128xf32, #tpu.memory_space<vmem_shared>> -> memref<256x128xf32, #tpu.memory_space<vmem_shared>>
      tpu.wait_dma2 semaphore(%run_scoped3A : memref<!tpu.dma_semaphore, #tpu.memory_space<semaphore_mem>>) src(%dma_wait3A_125 : memref<256x128xf32, #tpu.memory_space<vmem_shared>>) dst(%dma_wait3A_123 : memref<256x128xf32, #tpu.memory_space<hbm>>)
      tpu.yield
    }) : () -> ()
    return
  }
}

module attributes {stable_mosaic.version = 14 : i64} {
  func.func @body(%arg0: i32, %arg1: i32, %arg2: memref<512x300xf32, #tpu.memory_space<vmem>>, %arg3: memref<1x300x64xf32, #tpu.memory_space<vmem>>, %arg4: memref<1x300x64xf32, #tpu.memory_space<vmem>>, %arg5: memref<2x2x131072xi32, #tpu.memory_space<vmem>>, %arg6: memref<512x128xf32, #tpu.memory_space<vmem>>, %arg7: memref<1x512x64xf32, #tpu.memory_space<vmem>>, %arg8: memref<2x131072xi32, #tpu.memory_space<vmem>>, %arg9: memref<2x131072xi32, #tpu.memory_space<vmem>>) attributes {dimension_semantics = [#tpu.dimension_semantics<arbitrary>, #tpu.dimension_semantics<arbitrary>], iteration_bounds = array<i64: 8, 2>, scalar_prefetch = 0 : i64, scratch_operands = 0 : i64, tpu.core_type = #tpu.core_type<tc>, window_params = [{transform_indices = @transform_0, window_bounds = array<i64: 512, 300>}, {transform_indices = @transform_1, window_bounds = array<i64: 1, 300, 64>}, {transform_indices = @transform_2, window_bounds = array<i64: 1, 300, 64>}, {pipeline_mode = #tpu.pipeline_mode<synchronous>, transform_indices = @transform_3, window_bounds = array<i64: 2, 2, 131072>}, {transform_indices = @transform_4, window_bounds = array<i64: 512, 128>}, {transform_indices = @transform_5, window_bounds = array<i64: 1, 512, 64>}, {pipeline_mode = #tpu.pipeline_mode<synchronous>, transform_indices = @transform_6, window_bounds = array<i64: 2, 131072>}, {pipeline_mode = #tpu.pipeline_mode<synchronous>, transform_indices = @transform_7, window_bounds = array<i64: 2, 131072>}]} {
    %get3A = arith.constant 0 : index
    %get3A_0 = arith.constant 0 : index
    %get3A_1 = vector.load %arg2[%get3A, %get3A_0] : memref<512x300xf32, #tpu.memory_space<vmem>>, vector<512x300xf32>
    %get3A_2 = arith.constant 0 : index
    %get3A_3 = arith.constant 0 : index
    %get3A_4 = arith.constant 0 : index
    %get3A_5 = vector.load %arg3[%get3A_2, %get3A_3, %get3A_4] : memref<1x300x64xf32, #tpu.memory_space<vmem>>, vector<1x300x64xf32>
    %get3A_6 = vector.shape_cast %get3A_5 : vector<1x300x64xf32> to vector<300x64xf32>
    %dot_general3A = arith.constant dense<0.000000e+00> : vector<512x64xf32>
    %dot_general3A_7 = tpu.matmul %get3A_1, %get3A_6, %dot_general3A {dimension_numbers = #tpu.dot_dimension_numbers<[1], [0], [0], [1], [0, 0, 1, 1], [], []>, transpose_lhs_hint = false} : vector<512x300xf32>, vector<300x64xf32>, vector<512x64xf32> -> vector<512x64xf32>
    %get3A_8 = arith.constant 0 : index
    %get3A_9 = arith.constant 0 : index
    %get3A_10 = arith.constant 0 : index
    %get3A_11 = vector.load %arg4[%get3A_8, %get3A_9, %get3A_10] : memref<1x300x64xf32, #tpu.memory_space<vmem>>, vector<1x300x64xf32>
    %get3A_12 = vector.shape_cast %get3A_11 : vector<1x300x64xf32> to vector<300x64xf32>
    %dot_general3A_13 = arith.constant dense<0.000000e+00> : vector<512x64xf32>
    %dot_general3A_14 = tpu.matmul %get3A_1, %get3A_12, %dot_general3A_13 {dimension_numbers = #tpu.dot_dimension_numbers<[1], [0], [0], [1], [0, 0, 1, 1], [], []>, transpose_lhs_hint = false} : vector<512x300xf32>, vector<300x64xf32>, vector<512x64xf32> -> vector<512x64xf32>
    %broadcast_in_dim3A = arith.constant 1.000000e+00 : f32
    %broadcast_in_dim3A_15 = vector.broadcast %broadcast_in_dim3A : f32 to vector<512x16xf32>
    %broadcast_in_dim3A_16 = arith.constant 0.000000e+00 : f32
    %broadcast_in_dim3A_17 = vector.broadcast %broadcast_in_dim3A_16 : f32 to vector<512x48xf32>
    %concatenate3A = tpu.concatenate %dot_general3A_7, %broadcast_in_dim3A_15, %broadcast_in_dim3A_17 in 1 : vector<512x64xf32>, vector<512x16xf32>, vector<512x48xf32> -> vector<512x128xf32>
    %swap3A = arith.constant 0 : index
    %swap3A_18 = arith.constant 0 : index
    %swap3A_19 = vector.load %arg6[%swap3A, %swap3A_18] : memref<512x128xf32, #tpu.memory_space<vmem>>, vector<512x128xf32>
    tpu.vector_store %arg6[%swap3A, %swap3A_18], %concatenate3A {strides = array<i32>} : memref<512x128xf32, #tpu.memory_space<vmem>>, vector<512x128xf32>,
    %broadcast_in_dim3A_20 = vector.shape_cast %dot_general3A_14 : vector<512x64xf32> to vector<1x512x64xf32>
    %swap3A_21 = arith.constant 0 : index
    %swap3A_22 = arith.constant 0 : index
    %swap3A_23 = arith.constant 0 : index
    %swap3A_24 = vector.load %arg7[%swap3A_21, %swap3A_22, %swap3A_23] : memref<1x512x64xf32, #tpu.memory_space<vmem>>, vector<1x512x64xf32>
    tpu.vector_store %arg7[%swap3A_21, %swap3A_22, %swap3A_23], %broadcast_in_dim3A_20 {strides = array<i32>} : memref<1x512x64xf32, #tpu.memory_space<vmem>>, vector<1x512x64xf32>,
    %eq3A = arith.constant 0 : i32
    %eq3A_25 = arith.cmpi eq, %arg0, %eq3A : i32
    %eq3A_26 = arith.constant 0 : i32
    %eq3A_27 = arith.cmpi eq, %arg1, %eq3A_26 : i32
    %and3A = arith.andi %eq3A_25, %eq3A_27 : i1
    %convert_element_type3A = arith.extui %and3A : i1 to i32
    %cond3A = arith.constant 0 : i32
    %cond3A_28 = arith.cmpi ne, %convert_element_type3A, %cond3A : i32
    scf.if %cond3A_28 {
      %get3A_29 = arith.constant 0 : index
      %get3A_30 = arith.constant 0 : index
      %get3A_31 = arith.constant 0 : index
      %get3A_32 = vector.load %arg5[%get3A_29, %get3A_30, %get3A_31] : memref<2x2x131072xi32, #tpu.memory_space<vmem>>, vector<2x1x131072xi32>
      %get3A_33 = vector.shape_cast %get3A_32 : vector<2x1x131072xi32> to vector<2x131072xi32>
      %get3A_34 = arith.constant 0 : index
      %get3A_35 = arith.constant 1 : index
      %get3A_36 = arith.constant 0 : index
      %get3A_37 = vector.load %arg5[%get3A_34, %get3A_35, %get3A_36] : memref<2x2x131072xi32, #tpu.memory_space<vmem>>, vector<2x1x131072xi32>
      %get3A_38 = vector.shape_cast %get3A_37 : vector<2x1x131072xi32> to vector<2x131072xi32>
      %ne3A = arith.cmpi ne, %get3A_33, %get3A_38 : vector<2x131072xi32>
      %jit3A = arith.constant 4096 : i32
      %broadcast_in_dim3A_39 = vector.broadcast %jit3A : i32 to vector<2x131072xi32>
      %select_n3A = arith.select %ne3A, %get3A_33, %broadcast_in_dim3A_39 : vector<2x131072xi1>, vector<2x131072xi32>
      %swap3A_40 = arith.constant 0 : index
      %swap3A_41 = arith.constant 0 : index
      %swap3A_42 = vector.load %arg8[%swap3A_40, %swap3A_41] : memref<2x131072xi32, #tpu.memory_space<vmem>>, vector<2x131072xi32>
      tpu.vector_store %arg8[%swap3A_40, %swap3A_41], %select_n3A {strides = array<i32>} : memref<2x131072xi32, #tpu.memory_space<vmem>>, vector<2x131072xi32>,
      %iota3A = tpu.iota {dimensions = array<i32: 0>} : vector<2x131072xi32>
      %mul3A = arith.constant 4096 : i32
      %mul3A_43 = vector.broadcast %mul3A : i32 to vector<2x131072xi32>
      %mul3A_44 = arith.muli %iota3A, %mul3A_43 : vector<2x131072xi32>
      %add3A = arith.addi %get3A_38, %mul3A_44 : vector<2x131072xi32>
      %swap3A_45 = arith.constant 0 : index
      %swap3A_46 = arith.constant 0 : index
      %swap3A_47 = vector.load %arg9[%swap3A_45, %swap3A_46] : memref<2x131072xi32, #tpu.memory_space<vmem>>, vector<2x131072xi32>
      tpu.vector_store %arg9[%swap3A_45, %swap3A_46], %add3A {strides = array<i32>} : memref<2x131072xi32, #tpu.memory_space<vmem>>, vector<2x131072xi32>,
    } else {
    }
    return
  }
  func.func @transform_0(%arg0: i32, %arg1: i32) -> (i32, i32) {
    %c0_i32 = arith.constant 0 : i32
    %c0_i32_0 = arith.constant 0 : i32
    return %arg0, %c0_i32 : i32, i32
  }
  func.func @transform_1(%arg0: i32, %arg1: i32) -> (i32, i32, i32) {
    %c0_i32 = arith.constant 0 : i32
    %c0_i32_0 = arith.constant 0 : i32
    %c0_i32_1 = arith.constant 0 : i32
    return %arg1, %c0_i32, %c0_i32_0 : i32, i32, i32
  }
  func.func @transform_2(%arg0: i32, %arg1: i32) -> (i32, i32, i32) {
    %c0_i32 = arith.constant 0 : i32
    %c0_i32_0 = arith.constant 0 : i32
    %c0_i32_1 = arith.constant 0 : i32
    return %arg1, %c0_i32, %c0_i32_0 : i32, i32, i32
  }
  func.func @transform_3(%arg0: i32, %arg1: i32) -> (i32, i32, i32) {
    %c0_i32 = arith.constant 0 : i32
    %c0_i32_0 = arith.constant 0 : i32
    %c0_i32_1 = arith.constant 0 : i32
    %c0_i32_2 = arith.constant 0 : i32
    return %c0_i32, %c0_i32_0, %c0_i32_1 : i32, i32, i32
  }
  func.func @transform_4(%arg0: i32, %arg1: i32) -> (i32, i32) {
    %mul3A = arith.constant 8 : i32
    %mul3A_0 = arith.muli %arg1, %mul3A : i32
    %add3A = arith.addi %mul3A_0, %arg0 : i32
    %c0_i32 = arith.constant 0 : i32
    %c0_i32_1 = arith.constant 0 : i32
    return %add3A, %c0_i32 : i32, i32
  }
  func.func @transform_5(%arg0: i32, %arg1: i32) -> (i32, i32, i32) {
    %c0_i32 = arith.constant 0 : i32
    %c0_i32_0 = arith.constant 0 : i32
    return %arg1, %arg0, %c0_i32 : i32, i32, i32
  }
  func.func @transform_6(%arg0: i32, %arg1: i32) -> (i32, i32) {
    %c0_i32 = arith.constant 0 : i32
    %c0_i32_0 = arith.constant 0 : i32
    %c0_i32_1 = arith.constant 0 : i32
    return %c0_i32, %c0_i32_0 : i32, i32
  }
  func.func @transform_7(%arg0: i32, %arg1: i32) -> (i32, i32) {
    %c0_i32 = arith.constant 0 : i32
    %c0_i32_0 = arith.constant 0 : i32
    %c0_i32_1 = arith.constant 0 : i32
    return %c0_i32, %c0_i32_0 : i32, i32
  }
}

module attributes {stable_mosaic.version = 14 : i64} {
  func.func @body(%arg0: i32, %arg1: i32, %arg2: memref<1x512x128xf32, #tpu.memory_space<vmem>>, %arg3: memref<1x512x64xf32, #tpu.memory_space<vmem>>, %arg4: memref<1x1x64xf32, #tpu.memory_space<vmem>>, %arg5: memref<1x64x128xf32, #tpu.memory_space<vmem>>, %arg6: memref<1x512x64xf32, #tpu.memory_space<vmem>>, %arg7: memref<512x128xf32, #tpu.memory_space<vmem>>) attributes {dimension_semantics = [#tpu.dimension_semantics<arbitrary>, #tpu.dimension_semantics<arbitrary>], iteration_bounds = array<i64: 8, 2>, scalar_prefetch = 0 : i64, scratch_operands = 0 : i64, tpu.core_type = #tpu.core_type<tc>, window_params = [{transform_indices = @transform_0, window_bounds = array<i64: 1, 512, 128>}, {transform_indices = @transform_1, window_bounds = array<i64: 1, 512, 64>}, {transform_indices = @transform_2, window_bounds = array<i64: 1, 1, 64>}, {transform_indices = @transform_3, window_bounds = array<i64: 1, 64, 128>}, {transform_indices = @transform_4, window_bounds = array<i64: 1, 512, 64>}, {transform_indices = @transform_5, window_bounds = array<i64: 512, 128>}]} {
    %get3A = arith.constant 0 : index
    %get3A_0 = arith.constant 0 : index
    %get3A_1 = arith.constant 0 : index
    %get3A_2 = vector.load %arg2[%get3A, %get3A_0, %get3A_1] : memref<1x512x128xf32, #tpu.memory_space<vmem>>, vector<1x512x128xf32>
    %get3A_3 = vector.shape_cast %get3A_2 : vector<1x512x128xf32> to vector<512x128xf32>
    %slice3A = vector.extract_strided_slice %get3A_3 {offsets = [0, 64], sizes = [512, 1], strides = [1, 1]} : vector<512x128xf32> to vector<512x1xf32>
    %slice3A_4 = vector.extract_strided_slice %get3A_3 {offsets = [0, 0], sizes = [512, 64], strides = [1, 1]} : vector<512x128xf32> to vector<512x64xf32>
    %max3A = arith.constant 1.000000e+00 : f32
    %max3A_5 = vector.broadcast %max3A : f32 to vector<512x1xf32>
    %max3A_6 = arith.maximumf %slice3A, %max3A_5 : vector<512x1xf32>
    %div3A = vector.broadcast %max3A_6 : vector<512x1xf32> to vector<512x64xf32>
    %div3A_7 = arith.divf %slice3A_4, %div3A : vector<512x64xf32>
    %get3A_8 = arith.constant 0 : index
    %get3A_9 = arith.constant 0 : index
    %get3A_10 = arith.constant 0 : index
    %get3A_11 = vector.load %arg3[%get3A_8, %get3A_9, %get3A_10] : memref<1x512x64xf32, #tpu.memory_space<vmem>>, vector<1x512x64xf32>
    %get3A_12 = vector.shape_cast %get3A_11 : vector<1x512x64xf32> to vector<512x64xf32>
    %add3A = arith.addf %div3A_7, %get3A_12 : vector<512x64xf32>
    %get3A_13 = arith.constant 0 : index
    %get3A_14 = arith.constant 0 : index
    %get3A_15 = arith.constant 0 : index
    %get3A_16 = vector.load %arg4[%get3A_13, %get3A_14, %get3A_15] : memref<1x1x64xf32, #tpu.memory_space<vmem>>, vector<1x1x64xf32>
    %get3A_17 = vector.shape_cast %get3A_16 : vector<1x1x64xf32> to vector<1x64xf32>
    %add3A_18 = vector.broadcast %get3A_17 : vector<1x64xf32> to vector<512x64xf32>
    %add3A_19 = arith.addf %add3A, %add3A_18 : vector<512x64xf32>
    %mul3A = arith.mulf %add3A_19, %add3A_19 : vector<512x64xf32>
    %reduce_sum3A = arith.constant dense<0.000000e+00> : vector<512xf32>
    %reduce_sum3A_20 = vector.multi_reduction <add>, %mul3A, %reduce_sum3A [1] : vector<512x64xf32> to vector<512xf32>
    %broadcast_in_dim3A = vector.shape_cast %reduce_sum3A_20 : vector<512xf32> to vector<512x1xf32>
    %sqrt3A = math.sqrt %broadcast_in_dim3A : vector<512x1xf32>
    %max3A_21 = arith.constant 9.99999996E-13 : f32
    %max3A_22 = vector.broadcast %max3A_21 : f32 to vector<512x1xf32>
    %max3A_23 = arith.maximumf %sqrt3A, %max3A_22 : vector<512x1xf32>
    %div3A_24 = vector.broadcast %max3A_23 : vector<512x1xf32> to vector<512x64xf32>
    %div3A_25 = arith.divf %add3A_19, %div3A_24 : vector<512x64xf32>
    %tanh3A = math.tanh %div3A_25 : vector<512x64xf32>
    %broadcast_in_dim3A_26 = vector.shape_cast %tanh3A : vector<512x64xf32> to vector<1x512x64xf32>
    %swap3A = arith.constant 0 : index
    %swap3A_27 = arith.constant 0 : index
    %swap3A_28 = arith.constant 0 : index
    %swap3A_29 = vector.load %arg6[%swap3A, %swap3A_27, %swap3A_28] : memref<1x512x64xf32, #tpu.memory_space<vmem>>, vector<1x512x64xf32>
    tpu.vector_store %arg6[%swap3A, %swap3A_27, %swap3A_28], %broadcast_in_dim3A_26 {strides = array<i32>} : memref<1x512x64xf32, #tpu.memory_space<vmem>>, vector<1x512x64xf32>,
    %get3A_30 = arith.constant 0 : index
    %get3A_31 = arith.constant 0 : index
    %get3A_32 = arith.constant 0 : index
    %get3A_33 = vector.load %arg5[%get3A_30, %get3A_31, %get3A_32] : memref<1x64x128xf32, #tpu.memory_space<vmem>>, vector<1x64x128xf32>
    %get3A_34 = vector.shape_cast %get3A_33 : vector<1x64x128xf32> to vector<64x128xf32>
    %dot_general3A = arith.constant dense<0.000000e+00> : vector<512x128xf32>
    %dot_general3A_35 = tpu.matmul %tanh3A, %get3A_34, %dot_general3A {dimension_numbers = #tpu.dot_dimension_numbers<[1], [0], [0], [1], [0, 0, 1, 1], [], []>, transpose_lhs_hint = false} : vector<512x64xf32>, vector<64x128xf32>, vector<512x128xf32> -> vector<512x128xf32>
    %swap3A_36 = arith.constant 0 : index
    %swap3A_37 = arith.constant 0 : index
    %swap3A_38 = vector.load %arg7[%swap3A_36, %swap3A_37] : memref<512x128xf32, #tpu.memory_space<vmem>>, vector<512x128xf32>
    tpu.vector_store %arg7[%swap3A_36, %swap3A_37], %dot_general3A_35 {strides = array<i32>} : memref<512x128xf32, #tpu.memory_space<vmem>>, vector<512x128xf32>,
    return
  }
  func.func @transform_0(%arg0: i32, %arg1: i32) -> (i32, i32, i32) {
    %c0_i32 = arith.constant 0 : i32
    %c0_i32_0 = arith.constant 0 : i32
    return %arg1, %arg0, %c0_i32 : i32, i32, i32
  }
  func.func @transform_1(%arg0: i32, %arg1: i32) -> (i32, i32, i32) {
    %c0_i32 = arith.constant 0 : i32
    %c0_i32_0 = arith.constant 0 : i32
    return %arg1, %arg0, %c0_i32 : i32, i32, i32
  }
  func.func @transform_2(%arg0: i32, %arg1: i32) -> (i32, i32, i32) {
    %c0_i32 = arith.constant 0 : i32
    %c0_i32_0 = arith.constant 0 : i32
    %c0_i32_1 = arith.constant 0 : i32
    return %arg1, %c0_i32, %c0_i32_0 : i32, i32, i32
  }
  func.func @transform_3(%arg0: i32, %arg1: i32) -> (i32, i32, i32) {
    %c0_i32 = arith.constant 0 : i32
    %c0_i32_0 = arith.constant 0 : i32
    %c0_i32_1 = arith.constant 0 : i32
    return %arg1, %c0_i32, %c0_i32_0 : i32, i32, i32
  }
  func.func @transform_4(%arg0: i32, %arg1: i32) -> (i32, i32, i32) {
    %c0_i32 = arith.constant 0 : i32
    %c0_i32_0 = arith.constant 0 : i32
    return %arg1, %arg0, %c0_i32 : i32, i32, i32
  }
  func.func @transform_5(%arg0: i32, %arg1: i32) -> (i32, i32) {
    %mul3A = arith.constant 8 : i32
    %mul3A_0 = arith.muli %arg1, %mul3A : i32
    %add3A = arith.addi %mul3A_0, %arg0 : i32
    %c0_i32 = arith.constant 0 : i32
    %c0_i32_1 = arith.constant 0 : i32
    return %add3A, %c0_i32 : i32, i32
  }
}

module attributes {stable_mosaic.version = 14 : i64} {
  func.func @body(%arg0: i32, %arg1: memref<2x512x128xf32, #tpu.memory_space<vmem>>, %arg2: memref<512x128xf32, #tpu.memory_space<vmem>>, %arg3: memref<512x128xf32, #tpu.memory_space<vmem>>, %arg4: memref<2x512x64xf32, #tpu.memory_space<vmem>>, %arg5: memref<2x512xf32, #tpu.memory_space<vmem>>, %arg6: memref<2x64x64xf32, #tpu.memory_space<vmem>>, %arg7: memref<2x64xf32, #tpu.memory_space<vmem>>, %arg8: memref<512x128xf32, #tpu.memory_space<vmem>>) attributes {dimension_semantics = [#tpu.dimension_semantics<arbitrary>], iteration_bounds = array<i64: 8>, scalar_prefetch = 0 : i64, scratch_operands = 0 : i64, tpu.core_type = #tpu.core_type<tc>, window_params = [{transform_indices = @transform_0, window_bounds = array<i64: 2, 512, 128>}, {transform_indices = @transform_1, window_bounds = array<i64: 512, 128>}, {transform_indices = @transform_2, window_bounds = array<i64: 512, 128>}, {transform_indices = @transform_3, window_bounds = array<i64: 2, 512, 64>}, {transform_indices = @transform_4, window_bounds = array<i64: 2, 512>}, {pipeline_mode = #tpu.pipeline_mode<synchronous>, transform_indices = @transform_5, window_bounds = array<i64: 2, 64, 64>}, {pipeline_mode = #tpu.pipeline_mode<synchronous>, transform_indices = @transform_6, window_bounds = array<i64: 2, 64>}, {transform_indices = @transform_7, window_bounds = array<i64: 512, 128>}]} {
    %get3A = arith.constant 0 : index
    %get3A_0 = arith.constant 0 : index
    %get3A_1 = vector.load %arg2[%get3A, %get3A_0] : memref<512x128xf32, #tpu.memory_space<vmem>>, vector<512x128xf32>
    %get3A_2 = arith.constant 0 : index
    %get3A_3 = arith.constant 0 : index
    %get3A_4 = vector.load %arg3[%get3A_2, %get3A_3] : memref<512x128xf32, #tpu.memory_space<vmem>>, vector<512x128xf32>
    %get3A_5 = arith.constant 0 : index
    %get3A_6 = arith.constant 0 : index
    %get3A_7 = vector.load %arg5[%get3A_5, %get3A_6] : memref<2x512xf32, #tpu.memory_space<vmem>>, vector<1x512xf32>
    %get3A_8 = vector.shape_cast %get3A_7 : vector<1x512xf32> to vector<512xf32>
    %broadcast_in_dim3A = vector.shape_cast %get3A_8 : vector<512xf32> to vector<512x1xf32>
    %add3A = arith.constant 1.000000e+00 : f32
    %add3A_9 = vector.broadcast %add3A : f32 to vector<512x1xf32>
    %add3A_10 = arith.addf %broadcast_in_dim3A, %add3A_9 : vector<512x1xf32>
    %get3A_11 = arith.constant 1 : index
    %get3A_12 = arith.constant 0 : index
    %get3A_13 = vector.load %arg5[%get3A_11, %get3A_12] : memref<2x512xf32, #tpu.memory_space<vmem>>, vector<1x512xf32>
    %get3A_14 = vector.shape_cast %get3A_13 : vector<1x512xf32> to vector<512xf32>
    %broadcast_in_dim3A_15 = vector.shape_cast %get3A_14 : vector<512xf32> to vector<512x1xf32>
    %add3A_16 = arith.constant 1.000000e+00 : f32
    %add3A_17 = vector.broadcast %add3A_16 : f32 to vector<512x1xf32>
    %add3A_18 = arith.addf %broadcast_in_dim3A_15, %add3A_17 : vector<512x1xf32>
    %get3A_19 = arith.constant 0 : index
    %get3A_20 = arith.constant 0 : index
    %get3A_21 = arith.constant 0 : index
    %get3A_22 = vector.load %arg1[%get3A_19, %get3A_20, %get3A_21] : memref<2x512x128xf32, #tpu.memory_space<vmem>>, vector<1x512x128xf32>
    %get3A_23 = vector.shape_cast %get3A_22 : vector<1x512x128xf32> to vector<512x128xf32>
    %slice3A = vector.extract_strided_slice %get3A_23 {offsets = [0, 0], sizes = [512, 64], strides = [1, 1]} : vector<512x128xf32> to vector<512x64xf32>
    %slice3A_24 = vector.extract_strided_slice %get3A_1 {offsets = [0, 0], sizes = [512, 64], strides = [1, 1]} : vector<512x128xf32> to vector<512x64xf32>
    %add3A_25 = arith.addf %slice3A, %slice3A_24 : vector<512x64xf32>
    %div3A = vector.broadcast %add3A_10 : vector<512x1xf32> to vector<512x64xf32>
    %div3A_26 = arith.divf %add3A_25, %div3A : vector<512x64xf32>
    %get3A_27 = arith.constant 1 : index
    %get3A_28 = arith.constant 0 : index
    %get3A_29 = arith.constant 0 : index
    %get3A_30 = vector.load %arg1[%get3A_27, %get3A_28, %get3A_29] : memref<2x512x128xf32, #tpu.memory_space<vmem>>, vector<1x512x128xf32>
    %get3A_31 = vector.shape_cast %get3A_30 : vector<1x512x128xf32> to vector<512x128xf32>
    %slice3A_32 = vector.extract_strided_slice %get3A_31 {offsets = [0, 64], sizes = [512, 64], strides = [1, 1]} : vector<512x128xf32> to vector<512x64xf32>
    %slice3A_33 = vector.extract_strided_slice %get3A_4 {offsets = [0, 64], sizes = [512, 64], strides = [1, 1]} : vector<512x128xf32> to vector<512x64xf32>
    %add3A_34 = arith.addf %slice3A_32, %slice3A_33 : vector<512x64xf32>
    %div3A_35 = vector.broadcast %add3A_18 : vector<512x1xf32> to vector<512x64xf32>
    %div3A_36 = arith.divf %add3A_34, %div3A_35 : vector<512x64xf32>
    %get3A_37 = arith.constant 0 : index
    %get3A_38 = arith.constant 0 : index
    %get3A_39 = arith.constant 0 : index
    %get3A_40 = vector.load %arg4[%get3A_37, %get3A_38, %get3A_39] : memref<2x512x64xf32, #tpu.memory_space<vmem>>, vector<1x512x64xf32>
    %get3A_41 = vector.shape_cast %get3A_40 : vector<1x512x64xf32> to vector<512x64xf32>
    %get3A_42 = arith.constant 0 : index
    %get3A_43 = arith.constant 0 : index
    %get3A_44 = arith.constant 0 : index
    %get3A_45 = vector.load %arg6[%get3A_42, %get3A_43, %get3A_44] : memref<2x64x64xf32, #tpu.memory_space<vmem>>, vector<1x64x64xf32>
    %get3A_46 = vector.shape_cast %get3A_45 : vector<1x64x64xf32> to vector<64x64xf32>
    %dot_general3A = arith.constant dense<0.000000e+00> : vector<512x64xf32>
    %dot_general3A_47 = tpu.matmul %get3A_41, %get3A_46, %dot_general3A {dimension_numbers = #tpu.dot_dimension_numbers<[1], [0], [0], [1], [0, 0, 1, 1], [], []>, transpose_lhs_hint = false} : vector<512x64xf32>, vector<64x64xf32>, vector<512x64xf32> -> vector<512x64xf32>
    %add3A_48 = arith.addf %div3A_26, %div3A_36 : vector<512x64xf32>
    %add3A_49 = arith.addf %add3A_48, %dot_general3A_47 : vector<512x64xf32>
    %get3A_50 = arith.constant 0 : index
    %get3A_51 = arith.constant 0 : index
    %get3A_52 = vector.load %arg7[%get3A_50, %get3A_51] : memref<2x64xf32, #tpu.memory_space<vmem>>, vector<1x64xf32>
    %get3A_53 = vector.shape_cast %get3A_52 : vector<1x64xf32> to vector<64xf32>
    %broadcast_in_dim3A_54 = vector.shape_cast %get3A_53 : vector<64xf32> to vector<1x64xf32>
    %add3A_55 = vector.broadcast %broadcast_in_dim3A_54 : vector<1x64xf32> to vector<512x64xf32>
    %add3A_56 = arith.addf %add3A_49, %add3A_55 : vector<512x64xf32>
    %mul3A = arith.mulf %add3A_56, %add3A_56 : vector<512x64xf32>
    %reduce_sum3A = arith.constant dense<0.000000e+00> : vector<512xf32>
    %reduce_sum3A_57 = vector.multi_reduction <add>, %mul3A, %reduce_sum3A [1] : vector<512x64xf32> to vector<512xf32>
    %broadcast_in_dim3A_58 = vector.shape_cast %reduce_sum3A_57 : vector<512xf32> to vector<512x1xf32>
    %sqrt3A = math.sqrt %broadcast_in_dim3A_58 : vector<512x1xf32>
    %max3A = arith.constant 9.99999996E-13 : f32
    %max3A_59 = vector.broadcast %max3A : f32 to vector<512x1xf32>
    %max3A_60 = arith.maximumf %sqrt3A, %max3A_59 : vector<512x1xf32>
    %div3A_61 = vector.broadcast %max3A_60 : vector<512x1xf32> to vector<512x64xf32>
    %div3A_62 = arith.divf %add3A_56, %div3A_61 : vector<512x64xf32>
    %tanh3A = math.tanh %div3A_62 : vector<512x64xf32>
    %get3A_63 = arith.constant 1 : index
    %get3A_64 = arith.constant 0 : index
    %get3A_65 = vector.load %arg5[%get3A_63, %get3A_64] : memref<2x512xf32, #tpu.memory_space<vmem>>, vector<1x512xf32>
    %get3A_66 = vector.shape_cast %get3A_65 : vector<1x512xf32> to vector<512xf32>
    %broadcast_in_dim3A_67 = vector.shape_cast %get3A_66 : vector<512xf32> to vector<512x1xf32>
    %add3A_68 = arith.constant 1.000000e+00 : f32
    %add3A_69 = vector.broadcast %add3A_68 : f32 to vector<512x1xf32>
    %add3A_70 = arith.addf %broadcast_in_dim3A_67, %add3A_69 : vector<512x1xf32>
    %get3A_71 = arith.constant 0 : index
    %get3A_72 = arith.constant 0 : index
    %get3A_73 = vector.load %arg5[%get3A_71, %get3A_72] : memref<2x512xf32, #tpu.memory_space<vmem>>, vector<1x512xf32>
    %get3A_74 = vector.shape_cast %get3A_73 : vector<1x512xf32> to vector<512xf32>
    %broadcast_in_dim3A_75 = vector.shape_cast %get3A_74 : vector<512xf32> to vector<512x1xf32>
    %add3A_76 = arith.constant 1.000000e+00 : f32
    %add3A_77 = vector.broadcast %add3A_76 : f32 to vector<512x1xf32>
    %add3A_78 = arith.addf %broadcast_in_dim3A_75, %add3A_77 : vector<512x1xf32>
    %get3A_79 = arith.constant 1 : index
    %get3A_80 = arith.constant 0 : index
    %get3A_81 = arith.constant 0 : index
    %get3A_82 = vector.load %arg1[%get3A_79, %get3A_80, %get3A_81] : memref<2x512x128xf32, #tpu.memory_space<vmem>>, vector<1x512x128xf32>
    %get3A_83 = vector.shape_cast %get3A_82 : vector<1x512x128xf32> to vector<512x128xf32>
    %slice3A_84 = vector.extract_strided_slice %get3A_83 {offsets = [0, 0], sizes = [512, 64], strides = [1, 1]} : vector<512x128xf32> to vector<512x64xf32>
    %slice3A_85 = vector.extract_strided_slice %get3A_4 {offsets = [0, 0], sizes = [512, 64], strides = [1, 1]} : vector<512x128xf32> to vector<512x64xf32>
    %add3A_86 = arith.addf %slice3A_84, %slice3A_85 : vector<512x64xf32>
    %div3A_87 = vector.broadcast %add3A_70 : vector<512x1xf32> to vector<512x64xf32>
    %div3A_88 = arith.divf %add3A_86, %div3A_87 : vector<512x64xf32>
    %get3A_89 = arith.constant 0 : index
    %get3A_90 = arith.constant 0 : index
    %get3A_91 = arith.constant 0 : index
    %get3A_92 = vector.load %arg1[%get3A_89, %get3A_90, %get3A_91] : memref<2x512x128xf32, #tpu.memory_space<vmem>>, vector<1x512x128xf32>
    %get3A_93 = vector.shape_cast %get3A_92 : vector<1x512x128xf32> to vector<512x128xf32>
    %slice3A_94 = vector.extract_strided_slice %get3A_93 {offsets = [0, 64], sizes = [512, 64], strides = [1, 1]} : vector<512x128xf32> to vector<512x64xf32>
    %slice3A_95 = vector.extract_strided_slice %get3A_1 {offsets = [0, 64], sizes = [512, 64], strides = [1, 1]} : vector<512x128xf32> to vector<512x64xf32>
    %add3A_96 = arith.addf %slice3A_94, %slice3A_95 : vector<512x64xf32>
    %div3A_97 = vector.broadcast %add3A_78 : vector<512x1xf32> to vector<512x64xf32>
    %div3A_98 = arith.divf %add3A_96, %div3A_97 : vector<512x64xf32>
    %get3A_99 = arith.constant 1 : index
    %get3A_100 = arith.constant 0 : index
    %get3A_101 = arith.constant 0 : index
    %get3A_102 = vector.load %arg4[%get3A_99, %get3A_100, %get3A_101] : memref<2x512x64xf32, #tpu.memory_space<vmem>>, vector<1x512x64xf32>
    %get3A_103 = vector.shape_cast %get3A_102 : vector<1x512x64xf32> to vector<512x64xf32>
    %get3A_104 = arith.constant 1 : index
    %get3A_105 = arith.constant 0 : index
    %get3A_106 = arith.constant 0 : index
    %get3A_107 = vector.load %arg6[%get3A_104, %get3A_105, %get3A_106] : memref<2x64x64xf32, #tpu.memory_space<vmem>>, vector<1x64x64xf32>
    %get3A_108 = vector.shape_cast %get3A_107 : vector<1x64x64xf32> to vector<64x64xf32>
    %dot_general3A_109 = arith.constant dense<0.000000e+00> : vector<512x64xf32>
    %dot_general3A_110 = tpu.matmul %get3A_103, %get3A_108, %dot_general3A_109 {dimension_numbers = #tpu.dot_dimension_numbers<[1], [0], [0], [1], [0, 0, 1, 1], [], []>, transpose_lhs_hint = false} : vector<512x64xf32>, vector<64x64xf32>, vector<512x64xf32> -> vector<512x64xf32>
    %add3A_111 = arith.addf %div3A_88, %div3A_98 : vector<512x64xf32>
    %add3A_112 = arith.addf %add3A_111, %dot_general3A_110 : vector<512x64xf32>
    %get3A_113 = arith.constant 1 : index
    %get3A_114 = arith.constant 0 : index
    %get3A_115 = vector.load %arg7[%get3A_113, %get3A_114] : memref<2x64xf32, #tpu.memory_space<vmem>>, vector<1x64xf32>
    %get3A_116 = vector.shape_cast %get3A_115 : vector<1x64xf32> to vector<64xf32>
    %broadcast_in_dim3A_117 = vector.shape_cast %get3A_116 : vector<64xf32> to vector<1x64xf32>
    %add3A_118 = vector.broadcast %broadcast_in_dim3A_117 : vector<1x64xf32> to vector<512x64xf32>
    %add3A_119 = arith.addf %add3A_112, %add3A_118 : vector<512x64xf32>
    %mul3A_120 = arith.mulf %add3A_119, %add3A_119 : vector<512x64xf32>
    %reduce_sum3A_121 = arith.constant dense<0.000000e+00> : vector<512xf32>
    %reduce_sum3A_122 = vector.multi_reduction <add>, %mul3A_120, %reduce_sum3A_121 [1] : vector<512x64xf32> to vector<512xf32>
    %broadcast_in_dim3A_123 = vector.shape_cast %reduce_sum3A_122 : vector<512xf32> to vector<512x1xf32>
    %sqrt3A_124 = math.sqrt %broadcast_in_dim3A_123 : vector<512x1xf32>
    %max3A_125 = arith.constant 9.99999996E-13 : f32
    %max3A_126 = vector.broadcast %max3A_125 : f32 to vector<512x1xf32>
    %max3A_127 = arith.maximumf %sqrt3A_124, %max3A_126 : vector<512x1xf32>
    %div3A_128 = vector.broadcast %max3A_127 : vector<512x1xf32> to vector<512x64xf32>
    %div3A_129 = arith.divf %add3A_119, %div3A_128 : vector<512x64xf32>
    %tanh3A_130 = math.tanh %div3A_129 : vector<512x64xf32>
    %concatenate3A = tpu.concatenate %tanh3A, %tanh3A_130 in 1 : vector<512x64xf32>, vector<512x64xf32> -> vector<512x128xf32>
    %mul3A_131 = arith.mulf %concatenate3A, %concatenate3A : vector<512x128xf32>
    %reduce_sum3A_132 = arith.constant dense<0.000000e+00> : vector<512xf32>
    %reduce_sum3A_133 = vector.multi_reduction <add>, %mul3A_131, %reduce_sum3A_132 [1] : vector<512x128xf32> to vector<512xf32>
    %broadcast_in_dim3A_134 = vector.shape_cast %reduce_sum3A_133 : vector<512xf32> to vector<512x1xf32>
    %sqrt3A_135 = math.sqrt %broadcast_in_dim3A_134 : vector<512x1xf32>
    %max3A_136 = arith.constant 9.99999996E-13 : f32
    %max3A_137 = vector.broadcast %max3A_136 : f32 to vector<512x1xf32>
    %max3A_138 = arith.maximumf %sqrt3A_135, %max3A_137 : vector<512x1xf32>
    %div3A_139 = vector.broadcast %max3A_138 : vector<512x1xf32> to vector<512x128xf32>
    %div3A_140 = arith.divf %concatenate3A, %div3A_139 : vector<512x128xf32>
    %swap3A = arith.constant 0 : index
    %swap3A_141 = arith.constant 0 : index
    %swap3A_142 = vector.load %arg8[%swap3A, %swap3A_141] : memref<512x128xf32, #tpu.memory_space<vmem>>, vector<512x128xf32>
    tpu.vector_store %arg8[%swap3A, %swap3A_141], %div3A_140 {strides = array<i32>} : memref<512x128xf32, #tpu.memory_space<vmem>>, vector<512x128xf32>,
    return
  }
  func.func @transform_0(%arg0: i32) -> (i32, i32, i32) {
    %c0_i32 = arith.constant 0 : i32
    %c0_i32_0 = arith.constant 0 : i32
    %c0_i32_1 = arith.constant 0 : i32
    return %c0_i32, %arg0, %c0_i32_0 : i32, i32, i32
  }
  func.func @transform_1(%arg0: i32) -> (i32, i32) {
    %c0_i32 = arith.constant 0 : i32
    %c0_i32_0 = arith.constant 0 : i32
    return %arg0, %c0_i32 : i32, i32
  }
  func.func @transform_2(%arg0: i32) -> (i32, i32) {
    %add3A = arith.constant 8 : i32
    %add3A_0 = arith.addi %add3A, %arg0 : i32
    %c0_i32 = arith.constant 0 : i32
    %c0_i32_1 = arith.constant 0 : i32
    return %add3A_0, %c0_i32 : i32, i32
  }
  func.func @transform_3(%arg0: i32) -> (i32, i32, i32) {
    %c0_i32 = arith.constant 0 : i32
    %c0_i32_0 = arith.constant 0 : i32
    %c0_i32_1 = arith.constant 0 : i32
    return %c0_i32, %arg0, %c0_i32_0 : i32, i32, i32
  }
  func.func @transform_4(%arg0: i32) -> (i32, i32) {
    %c0_i32 = arith.constant 0 : i32
    %c0_i32_0 = arith.constant 0 : i32
    return %c0_i32, %arg0 : i32, i32
  }
  func.func @transform_5(%arg0: i32) -> (i32, i32, i32) {
    %c0_i32 = arith.constant 0 : i32
    %c0_i32_0 = arith.constant 0 : i32
    %c0_i32_1 = arith.constant 0 : i32
    %c0_i32_2 = arith.constant 0 : i32
    return %c0_i32, %c0_i32_0, %c0_i32_1 : i32, i32, i32
  }
  func.func @transform_6(%arg0: i32) -> (i32, i32) {
    %c0_i32 = arith.constant 0 : i32
    %c0_i32_0 = arith.constant 0 : i32
    %c0_i32_1 = arith.constant 0 : i32
    return %c0_i32, %c0_i32_0 : i32, i32
  }
  func.func @transform_7(%arg0: i32) -> (i32, i32) {
    %c0_i32 = arith.constant 0 : i32
    %c0_i32_0 = arith.constant 0 : i32
    return %arg0, %c0_i32 : i32, i32
  }
}

module attributes {stable_mosaic.version = 14 : i64} {
  func.func @body(%arg0: i32, %arg1: i32, %arg2: memref<256x128xf32, #tpu.memory_space<vmem>>, %arg3: memref<4096x128xf32, #tpu.memory_space<vmem>>, %arg4: memref<256x4096xf32, #tpu.memory_space<vmem>>, %arg5: memref<256x4096xf32, #tpu.memory_space<vmem>>, %arg6: memref<256x32x128xf32, #tpu.memory_space<vmem>>, %arg7: memref<1x1xf32, #tpu.memory_space<smem>>) attributes {dimension_semantics = [#tpu.dimension_semantics<arbitrary>, #tpu.dimension_semantics<arbitrary>], iteration_bounds = array<i64: 16, 1>, scalar_prefetch = 0 : i64, scratch_operands = 0 : i64, tpu.core_type = #tpu.core_type<tc>, window_params = [{transform_indices = @transform_0, window_bounds = array<i64: 256, 128>}, {transform_indices = @transform_1, window_bounds = array<i64: 4096, 128>}, {transform_indices = @transform_2, window_bounds = array<i64: 256, 4096>}, {transform_indices = @transform_3, window_bounds = array<i64: 256, 4096>}, {transform_indices = @transform_4, window_bounds = array<i64: 256, 32, 128>}, {transform_indices = @transform_5, window_bounds = array<i64: 1, 1>}]} {
    %get3A = arith.constant 0 : index
    %get3A_0 = arith.constant 0 : index
    %get3A_1 = vector.load %arg2[%get3A, %get3A_0] : memref<256x128xf32, #tpu.memory_space<vmem>>, vector<256x128xf32>
    %get3A_2 = arith.constant 0 : index
    %get3A_3 = arith.constant 0 : index
    %get3A_4 = vector.load %arg3[%get3A_2, %get3A_3] : memref<4096x128xf32, #tpu.memory_space<vmem>>, vector<4096x128xf32>
    %dot_general3A = arith.constant dense<0.000000e+00> : vector<256x4096xf32>
    %dot_general3A_5 = tpu.matmul %get3A_1, %get3A_4, %dot_general3A {dimension_numbers = #tpu.dot_dimension_numbers<[1], [1], [0], [0], [0, 0, 1, 0], [], []>, transpose_lhs_hint = false} : vector<256x128xf32>, vector<4096x128xf32>, vector<256x4096xf32> -> vector<256x4096xf32>
    %get3A_6 = arith.constant 0 : index
    %get3A_7 = arith.constant 0 : index
    %get3A_8 = vector.load %arg4[%get3A_6, %get3A_7] : memref<256x4096xf32, #tpu.memory_space<vmem>>, vector<256x4096xf32>
    %mul3A = arith.mulf %dot_general3A_5, %get3A_8 : vector<256x4096xf32>
    %reshape3A = vector.shape_cast %mul3A : vector<256x4096xf32> to vector<256x32x128xf32>
    %swap3A = arith.constant 0 : index
    %swap3A_9 = arith.constant 0 : index
    %swap3A_10 = arith.constant 0 : index
    %swap3A_11 = vector.load %arg6[%swap3A, %swap3A_9, %swap3A_10] : memref<256x32x128xf32, #tpu.memory_space<vmem>>, vector<256x32x128xf32>
    tpu.vector_store %arg6[%swap3A, %swap3A_9, %swap3A_10], %reshape3A {strides = array<i32>} : memref<256x32x128xf32, #tpu.memory_space<vmem>>, vector<256x32x128xf32>,
    %get3A_12 = arith.constant 0 : index
    %get3A_13 = arith.constant 0 : index
    %get3A_14 = vector.load %arg5[%get3A_12, %get3A_13] : memref<256x4096xf32, #tpu.memory_space<vmem>>, vector<256x4096xf32>
    %sub3A = arith.subf %mul3A, %get3A_14 : vector<256x4096xf32>
    %mul3A_15 = arith.mulf %sub3A, %sub3A : vector<256x4096xf32>
    %reduce_sum3A = vector.shape_cast %mul3A_15 : vector<256x4096xf32> to vector<1x256x4096xf32>
    %reduce_sum3A_16 = arith.constant dense<0.000000e+00> : vector<1xf32>
    %reduce_sum3A_17 = vector.multi_reduction <add>, %reduce_sum3A, %reduce_sum3A_16 [1, 2] : vector<1x256x4096xf32> to vector<1xf32>
    %reduce_sum3A_18 = vector.shape_cast %reduce_sum3A_17 : vector<1xf32> to vector<1x1x1xf32>
    %reduce_sum3A_19 = vector.extract %reduce_sum3A_18[0, 0, 0] : f32 from vector<1x1x1xf32>
    %eq3A = arith.constant 0 : i32
    %eq3A_20 = arith.cmpi eq, %arg0, %eq3A : i32
    %eq3A_21 = arith.constant 0 : i32
    %eq3A_22 = arith.cmpi eq, %arg1, %eq3A_21 : i32
    %and3A = arith.andi %eq3A_20, %eq3A_22 : i1
    %convert_element_type3A = arith.extui %and3A : i1 to i32
    %cond3A = arith.constant 0 : i32
    %cond3A_23 = arith.cmpi ne, %convert_element_type3A, %cond3A : i32
    scf.if %cond3A_23 {
      %swap3A_38 = arith.constant 0.000000e+00 : f32
      %swap3A_39 = arith.constant 0 : index
      %swap3A_40 = arith.constant 0 : index
      %swap3A_41 = memref.load %arg7[%swap3A_39, %swap3A_40] : memref<1x1xf32, #tpu.memory_space<smem>>
      memref.store %swap3A_38, %arg7[%swap3A_39, %swap3A_40] : memref<1x1xf32, #tpu.memory_space<smem>>
    } else {
    }
    %get3A_24 = arith.constant 0 : index
    %get3A_25 = arith.constant 0 : index
    %get3A_26 = memref.load %arg7[%get3A_24, %get3A_25] : memref<1x1xf32, #tpu.memory_space<smem>>
    %add3A = arith.addf %get3A_26, %reduce_sum3A_19 : f32
    %swap3A_27 = arith.constant 0 : index
    %swap3A_28 = arith.constant 0 : index
    %swap3A_29 = memref.load %arg7[%swap3A_27, %swap3A_28] : memref<1x1xf32, #tpu.memory_space<smem>>
    memref.store %add3A, %arg7[%swap3A_27, %swap3A_28] : memref<1x1xf32, #tpu.memory_space<smem>>
    %eq3A_30 = arith.constant 15 : i32
    %eq3A_31 = arith.cmpi eq, %arg0, %eq3A_30 : i32
    %eq3A_32 = arith.constant 0 : i32
    %eq3A_33 = arith.cmpi eq, %arg1, %eq3A_32 : i32
    %and3A_34 = arith.andi %eq3A_31, %eq3A_33 : i1
    %convert_element_type3A_35 = arith.extui %and3A_34 : i1 to i32
    %cond3A_36 = arith.constant 0 : i32
    %cond3A_37 = arith.cmpi ne, %convert_element_type3A_35, %cond3A_36 : i32
    scf.if %cond3A_37 {
      %get3A_38 = arith.constant 0 : index
      %get3A_39 = arith.constant 0 : index
      %get3A_40 = memref.load %arg7[%get3A_38, %get3A_39] : memref<1x1xf32, #tpu.memory_space<smem>>
      %div3A = arith.constant 0x4B800000 : f32
      %div3A_41 = arith.divf %get3A_40, %div3A : f32
      %swap3A_42 = arith.constant 0 : index
      %swap3A_43 = arith.constant 0 : index
      %swap3A_44 = memref.load %arg7[%swap3A_42, %swap3A_43] : memref<1x1xf32, #tpu.memory_space<smem>>
      memref.store %div3A_41, %arg7[%swap3A_42, %swap3A_43] : memref<1x1xf32, #tpu.memory_space<smem>>
    } else {
    }
    return
  }
  func.func @transform_0(%arg0: i32, %arg1: i32) -> (i32, i32) {
    %c0_i32 = arith.constant 0 : i32
    %c0_i32_0 = arith.constant 0 : i32
    return %arg0, %c0_i32 : i32, i32
  }
  func.func @transform_1(%arg0: i32, %arg1: i32) -> (i32, i32) {
    %c0_i32 = arith.constant 0 : i32
    %c0_i32_0 = arith.constant 0 : i32
    return %arg1, %c0_i32 : i32, i32
  }
  func.func @transform_2(%arg0: i32, %arg1: i32) -> (i32, i32) {
    %c0_i32 = arith.constant 0 : i32
    return %arg0, %arg1 : i32, i32
  }
  func.func @transform_3(%arg0: i32, %arg1: i32) -> (i32, i32) {
    %c0_i32 = arith.constant 0 : i32
    return %arg0, %arg1 : i32, i32
  }
  func.func @transform_4(%arg0: i32, %arg1: i32) -> (i32, i32, i32) {
    %c0_i32 = arith.constant 0 : i32
    %c0_i32_0 = arith.constant 0 : i32
    return %arg0, %arg1, %c0_i32 : i32, i32, i32
  }
  func.func @transform_5(%arg0: i32, %arg1: i32) -> (i32, i32) {
    %c0_i32 = arith.constant 0 : i32
    %c0_i32_0 = arith.constant 0 : i32
    %c0_i32_1 = arith.constant 0 : i32
    return %c0_i32, %c0_i32_0 : i32, i32
  }
}

</mosaic_0001>

<sc_bundles>
// kernel: kernel.11.cloned.1.call-start
scs
__scs_entry_jumppad:
0x0: {  	(pc) =	sbr.rel $0x88, $3  }
0x1: {  	(tag) =	ssettag $0x0;
	lr =	simm.s32 $0x1  }
0x2: {  	[smem:$0x3F94] =	sst lr;
	_ =	strace $0xD0000000  }
0x3: {  	_ = 	snop  }
0x4: {  	_ = 	snop  }
0x5: {  	_ = 	snop  }
0x6: {  	_ = 	snop  }
0x7: {  	_ = 	snop  }
__scs_overlays_trampoline_lowered:
0x8: {  	[smem:$0x3FA3] =	sst s0  }
0x9: {  	[smem:$0x3FA4] =	sst s1  }
0xa: {  	[smem:$0x3FA5] =	sst s2  }
0xb: {  	[smem:$0x3FA6] =	sst s3  }
0xc: {  	[smem:$0x3FA7] =	sst s4  }
0xd: {  	[smem:$0x3FA8] =	sst s5  }
0xe: {  	[smem:$0x3FA9] =	sst s6  }
0xf: {  	[smem:$0x3FAA] =	sst s7  }
0x10: {  	[smem:$0x3FAB] =	sst s8  }
0x11: {  	[smem:$0x3FAC] =	sst s9;
	s0 =	simm.s32 @!p0 $0x0  }
0x12: {  	s1 =	sld [smem:$0x3F92];
	s0 =	simm.s32 @p0 $0x1  }
0x13: {  	[smem:$0x3FAD] =	sst s0;
	s0 =	simm.s32 @!p1 $0x0  }
0x14: {  	s2 =	sld [smem:$0x3F91];
	s0 =	simm.s32 @p1 $0x1  }
0x15: {  	[smem:$0x3FAE] =	sst s0;
	s0 =	simm.s32 @!p2 $0x0  }
0x16: {  	s3 =	sld [smem:$0x3FDB];
	s0 =	simm.s32 @p2 $0x1  }
0x17: {  	s4 =	simm.s32 $0x1BF5;
	[smem:$0x3FB0] =	sst s0  }
0x18: {  	s0 =	sld [smem:$0x3F93];
	_ =	swait.ge [sflag:s4], $0x0  }
0x19: {  	s7 =	sld [smem:$0x3F94]  }
0x1a: {  	s8 =	sadd.s32 $0xFFFFE003, lr  }
0x1b: {  	s9 =	sadd.s32 $0xFFFFFEF7, lr;
	s5 =	simm.s32 $0xFFFFFFFF;
	p2 =	slt.u32 s8, $0xFFFFF086  }
0x1c: {  	p1 =	slt.u32 s9, $0xF7A;
	s5 =	simm.s32 @!p2 $0x0  }
0x1d: {  	s5 =	simm.s32 @p1 $0x1;
	p0 =	seq.s32 s7, s2  }
0x1e: {  	s7 =	smul.u32 @!p0 $0xF7A, s2;
	p2 =	seq.s32 @!p0 s5, $0x0  }
0x1f: {  	s9 =	smul.u32 $0xF7A, s1;
	s8 =	simm.s32 @!p0 $0x1BF5;
	p2 =	por !p2, p0  }
0x20: {  	[sflag:s8] =	ssyncset.s32 @!p0 $0xFFFFF086;
	s6 =	sadd.s32 @!p0 s3, s7;
	s7 =	simm.s32 @!p0 $0x108  }
0x21: {  	s3 =	sadd.s32 s3, s9;
	s6 =	sadd.s32 @!p0 $0x88, s6;
	s7 =	simm.s32 @p2 $0x1082  }
0x22: {  	[simem:s7], [sflag:s8] =	dma.local @!p0 [hbm:s6], $0xF7A  }
0x23: {  	s9 =	sor.u32 $0xD0000000, s2;
	s6 =	simm.s32 $0x108;
	_ =	swait.ge @!p0 [sflag:s8], $0x0  }
0x24: {  	s3 =	sadd.s32 $0x88, s3;
	s6 =	simm.s32 @!p1 $0x1082;
	[sflag:s4] =	ssyncset.s32 $0xFFFFF086  }
0x25: {  	[simem:s6], [sflag:s4] =	dma.local [hbm:s3], $0xF7A  }
0x26: {  	[smem:$0x3F94] =	sst s1;
	(tag) =	ssettag s2;
	_ =	strace s9  }
0x27: {  	s1 =	sld [smem:$0x3FA4]  }
0x28: {  	s2 =	sld [smem:$0x3FA5]  }
0x29: {  	s4 =	sld [smem:$0x3FA7]  }
0x2a: {  	p0 =	seq.s32 s5, $0x0;
	s5 =	sld [smem:$0x3FA8]  }
0x2b: {  	s6 =	sld [smem:$0x3FA9]  }
0x2c: {  	s7 =	sld [smem:$0x3FAA]  }
0x2d: {  	s3 =	simm.s32 $0x108;
	s8 =	sld [smem:$0x3FAB]  }
0x2e: {  	s3 =	simm.s32 @!p0 $0x1082;
	s9 =	sld [smem:$0x3FAC]  }
0x2f: {  	lr =	sadd.s32 s0, s3;
	s0 =	sld [smem:$0x3FA3]  }
0x30: {  	s3 =	sld [smem:$0x3FA6]  }
0x31: {  	[smem:$0x3FAF] =	sst s10  }
0x32: {  	s10 =	sld [smem:$0x3FAD];
	_ =	sdelay $0x3  }
0x33: {  	p0 =	seq.s32 s10, $0x1;
	s10 =	sld [smem:$0x3FAF];
	_ =	sdelay $0x3  }
0x34: {  	[smem:$0x3FAF] =	sst s10  }
0x35: {  	s10 =	sld [smem:$0x3FAE];
	_ =	sdelay $0x3  }
0x36: {  	p1 =	seq.s32 s10, $0x1;
	s10 =	sld [smem:$0x3FAF];
	_ =	sdelay $0x3  }
0x37: {  	[smem:$0x3FAF] =	sst s10  }
0x38: {  	s10 =	sld [smem:$0x3FB0]  }
0x39: {  	_ = 	snop;
	(pc) =	sbr.ind lr, $3  }
0x3a: {  	_ = 	snop  }
0x3b: {  	_ = 	snop  }
0x3c: {  	p2 =	seq.s32 s10, $0x1;
	s10 =	sld [smem:$0x3FAF]  }
0x3d: {  	_ =	shalt  }
0x3e: {  	_ =	shalt  }
0x3f: {  	_ =	shalt  }
0x40: {  	_ =	shalt  }
0x41: {  	_ =	shalt  }
0x42: {  	_ =	shalt  }
0x43: {  	_ =	shalt  }
0x44: {  	_ =	shalt  }
0x45: {  	_ =	shalt  }
0x46: {  	_ =	shalt  }
0x47: {  	_ =	shalt  }
0x48: {  	_ =	shalt  }
0x49: {  	_ =	shalt  }
0x4a: {  	_ =	shalt  }
0x4b: {  	_ =	shalt  }
0x4c: {  	_ =	shalt  }
0x4d: {  	_ =	shalt  }
0x4e: {  	_ =	shalt  }
0x4f: {  	_ =	shalt  }
0x50: {  	_ =	shalt  }
0x51: {  	_ =	shalt  }
0x52: {  	_ =	shalt  }
0x53: {  	_ =	shalt  }
0x54: {  	_ =	shalt  }
0x55: {  	_ =	shalt  }
0x56: {  	_ =	shalt  }
0x57: {  	_ =	shalt  }
0x58: {  	_ =	shalt  }
0x59: {  	_ =	shalt  }
0x5a: {  	_ =	shalt  }
0x5b: {  	_ =	shalt  }
0x5c: {  	_ =	shalt  }
0x5d: {  	_ =	shalt  }
0x5e: {  	_ =	shalt  }
0x5f: {  	_ =	shalt  }
0x60: {  	_ =	shalt  }
0x61: {  	_ =	shalt  }
0x62: {  	_ =	shalt  }
0x63: {  	_ =	shalt  }
0x64: {  	_ =	shalt  }
0x65: {  	_ =	shalt  }
0x66: {  	_ =	shalt  }
0x67: {  	_ =	shalt  }
0x68: {  	_ =	shalt  }
0x69: {  	_ =	shalt  }
0x6a: {  	_ =	shalt  }
0x6b: {  	_ =	shalt  }
0x6c: {  	_ =	shalt  }
0x6d: {  	_ =	shalt  }
0x6e: {  	_ =	shalt  }
0x6f: {  	_ =	shalt  }
0x70: {  	_ =	shalt  }
0x71: {  	_ =	shalt  }
0x72: {  	_ =	shalt  }
0x73: {  	_ =	shalt  }
0x74: {  	_ =	shalt  }
0x75: {  	_ =	shalt  }
0x76: {  	_ =	shalt  }
0x77: {  	_ =	shalt  }
0x78: {  	_ =	shalt  }
0x79: {  	_ =	shalt  }
0x7a: {  	_ =	shalt  }
0x7b: {  	_ =	shalt  }
0x7c: {  	_ =	shalt  }
0x7d: {  	_ =	shalt  }
0x7e: {  	_ =	shalt  }
0x7f: {  	_ =	shalt  }
0x80: {  	_ =	shalt  }
0x81: {  	_ =	shalt  }
0x82: {  	_ =	shalt  }
0x83: {  	_ =	shalt  }
0x84: {  	_ =	shalt  }
0x85: {  	_ =	shalt  }
0x86: {  	_ =	shalt  }
0x87: {  	_ =	shalt  }
.Lfunc_end0:
.L_simem_size_0:
called_computation.1_lowered:
.L_overlay_start_0:
0x88: {  	s2 =	sld [smem:$0x3FD9]  }
0x89: {  	s3 =	sld [smem:$0x3FFE];
	_ =	sdelay $0x1  }
0x8a: {  	s1 =	srdreg.scid  }
0x8b: {  	s0 =	sand.u32 $0x1, s1  }
0x8c: {  	s14 =	sshll.u32 s0, $0xA;
	s2 =	sadd.s32 s3, s2  }
0x8d: {  	s2 =	sadd.s32 s2, s14  }
0x8e: {  	[smem:$0x3FBB] =	sst s2  }
0x8f: {  	_ = 	snop  }
0x90: {  	s2 =	sld [smem:$0x3FD0];
	_ =	sdelay $0x2  }
0x91: {  	s15 =	simm.s32 $0xA;
	s4 =	simm.s32 $0x10  }
0x92: {  	[smem:s4], [sflag:s15] =	dma.local [hbm:s2], $0x1  }
0x93: {  	_ =	swait.eq [sflag:s15], $0x1  }
0x94: {  	[sflag:s15] =	ssyncset.done $0x0  }
0x95: {  	s16 =	sld [smem:$0x11];
	[sflag:s15] =	ssyncadd.s32 $0xFFFFFFFF  }
0x96: {  	s17 =	sld [smem:$0x12];
	(tm) =	ssettm $0x1  }
0x97: {  	s18 =	sld [smem:$0x3FFB];
	_ =	sdelay $0x3  }
0x98: {  	_ =	strace s18  }
0x99: {  	s4 =	sld [smem:$0x3FFC];
	_ =	sdelay $0x3  }
0x9a: {  	_ =	strace s4  }
0x9b: {  	s4 =	sld [smem:$0x3FFD];
	_ =	sdelay $0x3  }
0x9c: {  	_ =	strace s4  }
0x9d: {  	_ =	strace $0x8FFFFFFF  }
0x9e: {  	s19 =	sld [smem:$0x3FDB];
	_ =	sdelay $0x1  }
0x9f: {  	s5 =	simm.s32 $_scs_section_size  }
0xa0: {  	s6 =	simm.s32 $_size__tile_overlayer_lowered;
	s7 =	simm.s32 $_tile_overlayer_lowered  }
0xa1: {  	s22 =	simm.s32 $0x1BFF;
	s21 =	sshll.u32 s7, $0x1;
	s4 =	sadd.s32 s5, s19  }
0xa2: {  	s8 =	simm.s32 $0x0;
	s20 =	sshll.u32 s6, $0x1;
	s6 =	sadd.s32 s21, s4  }
0xa3: {  	[timem:s8], [sflag:s22] =	dma.local [hbm:s6], s20  }
0xa4: {  	_ =	swait.ge [sflag:s22], s20  }
0xa5: {  	s5 =	ssub.s32 $0x0, s20;
	[sflag:s22] =	ssyncset.done $0x0  }
0xa6: {  	[sflag:s22] =	ssyncadd.s32 s5;
	_ =	sdelay $0x1  }
0xa7: {  	s23 =	simm.s32 $0x1B8B  }
0xa8: {  	_ =	swait.ge [sflag:s23], $0x1  }
0xa9: {  	[sflag:s23] =	ssyncset.done $0x0  }
0xaa: {  	s25 =	simm.s32 $0x1B8E;
	s24 =	sld [smem:$0x3FFE];
	[sflag:s23] =	ssyncadd.s32 $0xFFFFFFFF  }
0xab: {  	s26 =	simm.s32 $execute0_lowered;
	[smem:$0x3FD2] =	sst s25  }
0xac: {  	s6 =	sshll.u32 s26, $0x1;
	_ =	strace $0x80000049;
	[dreg:$0x1] =	wrdreg $0xFFFFFFFF  }
0xad: {  	s28 =	simm.s32 $_size_execute0_lowered;
	s4 =	sadd.s32 s4, s6;
	[dreg:$0x0] =	wrdreg $0x0  }
0xae: {  	s6 =	sshll.u32 s28, $0x1;
	[dreg:$0x2] =	wrdreg s4  }
0xaf: {  	[dreg:$0x3] =	wrdreg s6  }
0xb0: {  	[dreg:$0x4] =	wrdreg $0xC0  }
0xb1: {  	_ =	task [dreg:s8], $0x5FFFF  }
0xb2: {  	[dreg:$0x1] =	wrdreg $0xFFFFFFFF  }
0xb3: {  	[dreg:$0x0] =	wrdreg $0x60  }
0xb4: {  	[dreg:$0x2] =	wrdreg s17  }
0xb5: {  	[dreg:$0x3] =	wrdreg s16  }
0xb6: {  	[dreg:$0x4] =	wrdreg s24  }
0xb7: {  	[dreg:$0x5] =	wrdreg $0x140000  }
0xb8: {  	[dreg:$0x6] =	wrdreg $0x9  }
0xb9: {  	_ =	task.clear_ibuf [dreg:s8], $0x7FFFF;
	_ =	strace $0x90000049  }
0xba: {  	s29 =	simm.s32 $0x9;
	_ =	strace $0x8000004B  }
0xbb: {  	_ =	swait.ge [sflag:s29], $0x1  }
0xbc: {  	[sflag:s29] =	ssyncadd.s32 $0xFFFFFFFF  }
0xbd: {  	_ =	strace $0x9000004B  }
0xbe: {  	_ =	sfence  }
0xbf: {  	s30 =	sld [smem:$0x0];
	_ =	sdelay $0x2  }
0xc0: {  	s31 =	sshll.u32 s1, $0xD;
	s1 =	sshrl.u32 s1, $0x2  }
0xc1: {  	s3 =	sand.u32 $0x4000, s31;
	s1 =	sadd.s32 s1, s30  }
0xc2: {  	s0 =	sor.u32 s3, s0;
	s1 =	sshll.u32 s1, $0x11  }
0xc3: {  	s0 =	sor.u32 s1, s0  }
0xc4: {  	s0 =	sadd.s32 $0x8F2B, s0  }
0xc5: {  	[sflag:s0] =	ssyncadd.remote.s32 $0x1  }
0xc6: {  	_ =	sfence.sel $0xFFFF  }
0xc7: {  	[dreg:$0x0] =	wrdreg $0xFFFFFFFF;
	(pc) =	sbr.abs _section_cstart, $3  }
0xc8: {  	[dreg:$0x1] =	wrdreg $0xFFFFFFFF  }
0xc9: {  	_ =	task.clear_ibuf [dreg:s8], $0x2FFFF;
	_ =	strace $0x9FFFFFFF  }
0xca: {  	(tm) =	ssettm $0x7FFFFFFF  }
0xcb: {  	_ =	shalt  }
tec
execute0_lowered:
.L_overlay_start_1:
0x0: {  	(tag) =	ssettag $0x1  }
0x1: {  	s1 =	rddreg [dreg:$0x0]  }
0x2: {  	s0 =	rddreg [dreg:$0x1]  }
0x3: {  	s2 =	rddreg [dreg:$0x2]  }
0x4: {  	s3 =	rddreg [dreg:$0x3]  }
0x5: {  	s4 =	srdreg.scid;
	s13 =	stileid.u32  }
0x6: {  	s14 =	simm.s32 $0x80;
	s15 =	simm.s32 $0x4000;
	s28 =	simm.s32 $0x0  }
0x7: {  	s7 =	sand.u32 $0x1, s4;
	s4 =	simm.s32 $0x0;
	s21 =	smul.u32 $0x1080, s13  }
0x8: {  	s6 =	sshll.u32 s13, $0xA;
	s22 =	smul.u32 $0x21000, s13;
	s10 =	sshll.u32 s13, $0xC  }
0x9: {  	s25 =	sshll.u32 s13, $0x6;
	s29 =	sshll.u32 s13, $0xF;
	s13 =	simm.s32 $0x2000  }
0xa: {  	s5 =	sshll.u32 s7, $0xE;
	[smem:$0x7FF] =	sst s4;
	s11 =	ssub.s32 $0x2, s7  }
0xb: {  	s12 =	sshll.u32 s7, $0x10;
	s31 =	sadd.s32 s29, s3;
	s8 =	sor.u32 s6, s5  }
0xc: {  	_ =	strace $0x8000004A;
	s5 =	sadd.s32 s21, s2;
	s23 =	sshrl.u32 s11, $0x1  }
0xd: {  	s6 =	sshrl.u32 s22, $0x2;
	s21 =	simm.s32 $0x1;
	s22 =	simm.s32 $0x5  }
0xe: {  	s9 =	sadd.s32 s8, s2;
	s2 =	sadd.s32 s10, s2;
	s10 =	ssub.s32 s11, s23  }
0xf: {  	s24 =	sadd.s32 s6, s3;
	s5 =	sadd.s32 $0xB600, s5;
	s6 =	sor.u32 $0x1C09, s25  }
0x10: {  	s0 =	sadd.s32 s0, s8;
	s23 =	simm.s32 $0x6;
	[dreg:$0x5] =	wrdreg s5  }
0x11: {  	s25 =	sshrl.u32 s31, $0x3;
	[dreg:$0x6] =	wrdreg s0;
	s26 =	sadd.s32 s12, s2  }
0x12: {  	s30 =	sadd.s32 $0x3600, s9;
	s10 =	smax.u32 s10, $0x1;
	s11 =	sshrl.u32 s24, $0x3  }
0x13: {  	s12 =	simm.s32 $0x9;
	[dreg:$0x7] =	wrdreg s30;
	s0 =	sadd.s32 $0x1BE00, s26  }
0x14: {  	s24 =	simm.s32 $0x7;
	s26 =	simm.s32 $0x8;
	[dreg:$0x8] =	wrdreg s0  }
.LBB2_1:
0x15: {  	s0 =	rddreg [dreg:$0x5]  }
0x16: {  	[spmem:s11], [sflag:s6] =	dma.local [hbm:s0], $0x1080  }
0x17: {  	_ =	swait.ge [sflag:s12], $0x1080  }
0x18: {  	[sflag:s12] =	ssyncset.done $0x0  }
0x19: {  	s19 =	rddreg [dreg:$0x6];
	[sflag:s12] =	ssyncadd.s32 $0xFFFFEF80  }
0x1a: {  	[tilespmem:s4], [sflag:$0x9] =	stream.linear.gather [hbm4b:s19+s4], $0x2000, $0x38;
	[tilespmem:$0x1C400] =	vst v63  }
0x1b: {  	_ =	swait.ge [sflag:s12], $0x2000  }
0x1c: {  	[sflag:s12] =	ssyncset.done $0x0  }
0x1d: {  	s20 =	rddreg [dreg:$0x7];
	[sflag:s12] =	ssyncadd.s32 $0xFFFFE000  }
0x1e: {  	[tilespmem:s13], [sflag:$0x9] =	stream.linear.gather [hbm4b:s20+s4], $0x2000, $0x38;
	[tilespmem:$0x1C400] =	vst v63  }
0x1f: {  	_ =	swait.ge [sflag:s12], $0x2000  }
0x20: {  	[sflag:s12] =	ssyncset.done $0x0  }
0x21: {  	[sflag:s12] =	ssyncadd.s32 $0xFFFFE000  }
0x22: {  	s2 =	simm.s32 $0x8000;
	[bflag:$0x0] =	sbarrier.arrive $0xFFFF  }
0x23: {  	[tilespmem:s15], [sflag:$0x1] =	stream.indirect.gather [hbm4b:s1+s14], $0x80, s4, s14, $0xb8;
	[tilespmem:$0x1C400] =	vst v63  }
0x24: {  	s5 =	simm.s32 $0x100;
	s7 =	simm.s32 $0x180;
	s8 =	simm.s32 $0x10000  }
0x25: {  	[tilespmem:s2], [sflag:$0x2] =	stream.indirect.gather [hbm4b:s1+s14], $0x80, s14, s14, $0xb8;
	[tilespmem:$0x1C400] =	vst v63  }
0x26: {  	p0 =	por $0x0, $0x0;
	s18 =	simm.s32 $0x2080;
	s2 =	simm.s32 $0xC000  }
0x27: {  	[tilespmem:s2], [sflag:$0x3] =	stream.indirect.gather [hbm4b:s1+s14], $0x80, s5, s14, $0xb8;
	[tilespmem:$0x1C400] =	vst v63  }
0x28: {  	s17 =	simm.s32 $0x1;
	s29 =	simm.s32 $0x2100;
	s0 =	simm.s32 $0x4  }
0x29: {  	[tilespmem:s8], [sflag:$0x4] =	stream.indirect.gather [hbm4b:s1+s14], $0x80, s7, s14, $0xb8;
	[tilespmem:$0x1C400] =	vst v63  }
0x2a: {  	s16 =	sand.u32 @!p0 $0x3, s0;
	s0 =	simm.s32 $0x5;
	_ =	swait.ge [sflag:s21], $0x4000  }
0x2b: {  	s19 =	sadd.s32 @!p0 $0x5, s16;
	s20 =	sand.u32 $0x3, s17;
	[sflag:s21] =	ssyncset.done $0x0  }
0x2c: {  	s17 =	sshll.u32 @!p0 s16, $0xE;
	s16 =	sadd.s32 @!p0 $0x1, s16;
	[sflag:s21] =	ssyncadd.s32 $0xFFFFC000  }
0x2d: {  	[spmem:s3] =	stream.indirect.scatter.add.f32 [tilespmem:s15], [sflag:$0x5], $0x80, s13, s14, $0xb8;
	[tilespmem:$0x1C400] =	vst v63  }
0x2e: {  	s17 =	sadd.s32 @!p0 $0x4000, s17;
	s31 =	sadd.s32 $0x1, s20;
	_ =	swait.ge @!p0 [sflag:s19], $0x4000  }
0x2f: {  	s9 =	sshll.u32 s20, $0xE;
	s20 =	sadd.s32 $0x5, s20;
	[sflag:s19] =	ssyncset.done @!p0 $0x0  }
0x30: {  	s2 =	simm.s32 $0x200;
	[sflag:s19] =	ssyncadd.s32 @!p0 $0xFFFFC000;
	s19 =	simm.s32 @!p0 $0x80  }
0x31: {  	[tilespmem:s17], [sflag:s16] =	stream.indirect.gather @!p0 [hbm4b:s1+s19], $0x80, s2, s19, $0xb8;
	[tilespmem:$0x1C400] =	vst v63  }
0x32: {  	s2 =	simm.s32 $0x2;
	s16 =	simm.s32 $0x6;
	_ =	swait.ge [sflag:s31], $0x4000  }
0x33: {  	s19 =	sadd.s32 $0x4000, s9;
	s30 =	sand.u32 $0x3, s2;
	[sflag:s31] =	ssyncset.done $0x0  }
0x34: {  	s17 =	sshll.u32 s30, $0xE;
	[sflag:s31] =	ssyncadd.s32 $0xFFFFC000;
	s31 =	simm.s32 $0x280  }
.LBB2_2:
0x35: {  	[spmem:s3] =	stream.indirect.scatter.add.f32 [tilespmem:s19], [sflag:s20], $0x80, s18, s14, $0xb8;
	[tilespmem:$0x1C400] =	vst v63  }
0x36: {  	s18 =	smov.u32 s16;
	s20 =	smov.u32 s30;
	s19 =	smov.u32 s17  }
0x37: {  	s16 =	sadd.s32 $0x1, s16;
	p1 =	sgt.u32 s2, $0x3C;
	s2 =	sadd.s32 $0xFFFFFFFD, s18  }
0x38: {  	p0 =	sne.s32 s16, $0x43;
	s0 =	sand.u32 @!p1 $0x3, s0;
	s30 =	sand.u32 $0x3, s2  }
0x39: {  	s5 =	sadd.s32 @!p1 $0x5, s0;
	s7 =	sshll.u32 @!p1 s0, $0xE;
	s8 =	sadd.s32 @!p1 $0x1, s0  }
0x3a: {  	s17 =	sshll.u32 s30, $0xE;
	s7 =	sadd.s32 @!p1 $0x4000, s7;
	_ =	swait.ge @!p1 [sflag:s5], $0x4000  }
0x3b: {  	s9 =	sadd.s32 $0x1, s20;
	s0 =	smov.u32 s18;
	[sflag:s5] =	ssyncset.done @!p1 $0x0  }
.Ltmp0:
0x3c: {  	[sflag:s5] =	ssyncadd.s32 @!p1 $0xFFFFC000;
	s5 =	simm.s32 @!p1 $0x80;
	(pc) =	sbr.rel @p0 .LBB2_2-.Ltmp0, $4  }
0x3d: {  	[tilespmem:s7], [sflag:s8] =	stream.indirect.gather @!p1 [hbm4b:s1+s5], $0x80, s31, s5, $0xb8;
	[tilespmem:$0x1C400] =	vst v63  }
0x3e: {  	s18 =	smov.u32 s29;
	_ =	swait.ge [sflag:s9], $0x4000  }
0x3f: {  	s29 =	sadd.s32 $0x80, s29;
	s31 =	sadd.s32 $0x80, s31;
	[sflag:s9] =	ssyncset.done $0x0  }
0x40: {  	s19 =	sadd.s32 $0x4000, s19;
	s20 =	sadd.s32 $0x5, s20;
	[sflag:s9] =	ssyncadd.s32 $0xFFFFC000  }
0x41: {  	[spmem:s3] =	stream.indirect.scatter.add.f32 [tilespmem:s19], [sflag:s20], $0x80, s18, s14, $0xb8;
	[tilespmem:$0x1C400] =	vst v63  }
0x42: {  	p0 =	sgt.u32 s2, $0x3C  }
0x43: {  	s0 =	sand.u32 @!p0 $0x3, s0  }
0x44: {  	s2 =	sadd.s32 @!p0 $0x5, s0  }
0x45: {  	s7 =	sadd.s32 $0x1, s30;
	_ =	swait.ge @!p0 [sflag:s2], $0x4000  }
0x46: {  	s5 =	sshll.u32 @!p0 s0, $0xE;
	s0 =	sadd.s32 @!p0 $0x1, s0;
	[sflag:s2] =	ssyncset.done @!p0 $0x0  }
0x47: {  	s5 =	sadd.s32 @!p0 $0x4000, s5;
	[sflag:s2] =	ssyncadd.s32 @!p0 $0xFFFFC000;
	s2 =	simm.s32 @!p0 $0x80  }
0x48: {  	[tilespmem:s5], [sflag:s0] =	stream.indirect.gather @!p0 [hbm4b:s1+s2], $0x80, s31, s2, $0xb8;
	[tilespmem:$0x1C400] =	vst v63  }
0x49: {  	_ =	swait.ge [sflag:s7], $0x4000  }
0x4a: {  	[sflag:s7] =	ssyncset.done $0x0  }
0x4b: {  	s20 =	sadd.s32 $0x4000, s17;
	s30 =	sadd.s32 $0x5, s30;
	[sflag:s7] =	ssyncadd.s32 $0xFFFFC000  }
0x4c: {  	[spmem:s3] =	stream.indirect.scatter.add.f32 [tilespmem:s20], [sflag:s30], $0x80, s29, s14, $0xb8;
	[tilespmem:$0x1C400] =	vst v63  }
0x4d: {  	_ =	swait.ge [sflag:s22], $0x4000  }
0x4e: {  	[sflag:s22] =	ssyncset.done $0x0  }
0x4f: {  	[sflag:s22] =	ssyncadd.s32 $0xFFFFC000  }
0x50: {  	_ =	swait.ge [sflag:s23], $0x4000  }
0x51: {  	[sflag:s23] =	ssyncset.done $0x0  }
0x52: {  	[sflag:s23] =	ssyncadd.s32 $0xFFFFC000  }
0x53: {  	_ =	swait.ge [sflag:s24], $0x4000  }
0x54: {  	[sflag:s24] =	ssyncset.done $0x0  }
0x55: {  	[sflag:s24] =	ssyncadd.s32 $0xFFFFC000  }
0x56: {  	_ =	swait.ge [sflag:s26], $0x4000  }
0x57: {  	[sflag:s26] =	ssyncset.done $0x0  }
0x58: {  	s28 =	sadd.s32 $0x1, s28;
	[sflag:s26] =	ssyncadd.s32 $0xFFFFC000  }
0x59: {  	p0 =	sne.s32 s28, s10;
	[bflag:$0x0] =	sbarrier.arrive $0xFFFF  }
.Ltmp1:
0x5a: {  	s31 =	rddreg [dreg:$0x8];
	(pc) =	sbr.rel @p0 .LBB2_1-.Ltmp1, $4  }
0x5b: {  	[hbm:s31], [sflag:s6] =	dma.local [spmem:s25], $0x1000  }
0x5c: {  	_ =	swait.ge [sflag:s12], $0x1000  }
0x5d: {  	[sflag:s12] =	ssyncset.done $0x0  }
0x5e: {  	[sflag:s12] =	ssyncadd.s32 $0xFFFFF000  }
0x5f: {  	_ =	sfence.sel $0x180000  }
0x60: {  	[bflag:$0x0] =	sbarrier.arrive $0xFFFF  }
0x61: {  	_ =	strace $0x9000004A  }
0x62: {  	s0 =	stileid.u32;
	[bflag:$0x2] =	sbarrier.arrive $0xFFFF  }
0x63: {  	p0 =	sne.s32 s0, $0x0;
	s0 =	rddreg [dreg:$0x4]  }
0x64: {  	s0 =	sadd.s32 @!p0 $0x100000, s0  }
0x65: {  	[sflag:s0] =	ssyncadd.tile.s32 @!p0 $0x1;
	_ =	shalt  }
.Lfunc_end2:
_tile_overlayer_lowered:
.L_overlay_start_2:
0x66: {  	(tag) =	ssettag $0x2  }
0x67: {  	s0 =	rddreg [dreg:$0x0];
	s2 =	stileid.u32  }
0x68: {  	s1 =	rddreg [dreg:$0x1];
	p0 =	sne.s32 s2, $0x0  }
0x69: {  	s3 =	rddreg [dreg:$0x2];
	[bflag:$0x3] =	sbarrier.arrive $0xFFFF;
	s2 =	simm.s32 @!p0 $0x1C09  }
0x6a: {  	[timem:s3], [sflag:s2] =	dma.local @!p0 [hbm:s0], s1  }
0x6b: {  	s0 =	simm.s32 @!p0 $0x9  }
0x6c: {  	_ =	swait.ge @!p0 [sflag:s0], s1  }
0x6d: {  	s1 =	ssub.s32 @!p0 $0x0, s1;
	[sflag:s0] =	ssyncset.done @!p0 $0x0  }
0x6e: {  	[sflag:s0] =	ssyncadd.s32 @!p0 s1  }
0x6f: {  	[bflag:$0x3] =	sbarrier.arrive $0xFFFF  }
0x70: {  	_ =	shalt  }

// kernel: kernel.8.cloned.1.call-start
scs
__scs_entry_jumppad:
0x0: {  	(pc) =	sbr.rel $0x88, $3  }
0x1: {  	(tag) =	ssettag $0x0;
	lr =	simm.s32 $0x1  }
0x2: {  	[smem:$0x3F94] =	sst lr;
	_ =	strace $0xD0000000  }
0x3: {  	_ = 	snop  }
0x4: {  	_ = 	snop  }
0x5: {  	_ = 	snop  }
0x6: {  	_ = 	snop  }
0x7: {  	_ = 	snop  }
__scs_overlays_trampoline_lowered:
0x8: {  	[smem:$0x3FA3] =	sst s0  }
0x9: {  	[smem:$0x3FA4] =	sst s1  }
0xa: {  	[smem:$0x3FA5] =	sst s2  }
0xb: {  	[smem:$0x3FA6] =	sst s3  }
0xc: {  	[smem:$0x3FA7] =	sst s4  }
0xd: {  	[smem:$0x3FA8] =	sst s5  }
0xe: {  	[smem:$0x3FA9] =	sst s6  }
0xf: {  	[smem:$0x3FAA] =	sst s7  }
0x10: {  	[smem:$0x3FAB] =	sst s8  }
0x11: {  	[smem:$0x3FAC] =	sst s9;
	s0 =	simm.s32 @!p0 $0x0  }
0x12: {  	s1 =	sld [smem:$0x3F92];
	s0 =	simm.s32 @p0 $0x1  }
0x13: {  	[smem:$0x3FAD] =	sst s0;
	s0 =	simm.s32 @!p1 $0x0  }
0x14: {  	s2 =	sld [smem:$0x3F91];
	s0 =	simm.s32 @p1 $0x1  }
0x15: {  	[smem:$0x3FAE] =	sst s0;
	s0 =	simm.s32 @!p2 $0x0  }
0x16: {  	s3 =	sld [smem:$0x3FDB];
	s0 =	simm.s32 @p2 $0x1  }
0x17: {  	s4 =	simm.s32 $0x1BF5;
	[smem:$0x3FB0] =	sst s0  }
0x18: {  	s0 =	sld [smem:$0x3F93];
	_ =	swait.ge [sflag:s4], $0x0  }
0x19: {  	s7 =	sld [smem:$0x3F94]  }
0x1a: {  	s8 =	sadd.s32 $0xFFFFE003, lr  }
0x1b: {  	s9 =	sadd.s32 $0xFFFFFEF7, lr;
	s5 =	simm.s32 $0xFFFFFFFF;
	p2 =	slt.u32 s8, $0xFFFFF086  }
0x1c: {  	p1 =	slt.u32 s9, $0xF7A;
	s5 =	simm.s32 @!p2 $0x0  }
0x1d: {  	s5 =	simm.s32 @p1 $0x1;
	p0 =	seq.s32 s7, s2  }
0x1e: {  	s7 =	smul.u32 @!p0 $0xF7A, s2;
	p2 =	seq.s32 @!p0 s5, $0x0  }
0x1f: {  	s9 =	smul.u32 $0xF7A, s1;
	s8 =	simm.s32 @!p0 $0x1BF5;
	p2 =	por !p2, p0  }
0x20: {  	[sflag:s8] =	ssyncset.s32 @!p0 $0xFFFFF086;
	s6 =	sadd.s32 @!p0 s3, s7;
	s7 =	simm.s32 @!p0 $0x108  }
0x21: {  	s3 =	sadd.s32 s3, s9;
	s6 =	sadd.s32 @!p0 $0x88, s6;
	s7 =	simm.s32 @p2 $0x1082  }
0x22: {  	[simem:s7], [sflag:s8] =	dma.local @!p0 [hbm:s6], $0xF7A  }
0x23: {  	s9 =	sor.u32 $0xD0000000, s2;
	s6 =	simm.s32 $0x108;
	_ =	swait.ge @!p0 [sflag:s8], $0x0  }
0x24: {  	s3 =	sadd.s32 $0x88, s3;
	s6 =	simm.s32 @!p1 $0x1082;
	[sflag:s4] =	ssyncset.s32 $0xFFFFF086  }
0x25: {  	[simem:s6], [sflag:s4] =	dma.local [hbm:s3], $0xF7A  }
0x26: {  	[smem:$0x3F94] =	sst s1;
	(tag) =	ssettag s2;
	_ =	strace s9  }
0x27: {  	s1 =	sld [smem:$0x3FA4]  }
0x28: {  	s2 =	sld [smem:$0x3FA5]  }
0x29: {  	s4 =	sld [smem:$0x3FA7]  }
0x2a: {  	p0 =	seq.s32 s5, $0x0;
	s5 =	sld [smem:$0x3FA8]  }
0x2b: {  	s6 =	sld [smem:$0x3FA9]  }
0x2c: {  	s7 =	sld [smem:$0x3FAA]  }
0x2d: {  	s3 =	simm.s32 $0x108;
	s8 =	sld [smem:$0x3FAB]  }
0x2e: {  	s3 =	simm.s32 @!p0 $0x1082;
	s9 =	sld [smem:$0x3FAC]  }
0x2f: {  	lr =	sadd.s32 s0, s3;
	s0 =	sld [smem:$0x3FA3]  }
0x30: {  	s3 =	sld [smem:$0x3FA6]  }
0x31: {  	[smem:$0x3FAF] =	sst s10  }
0x32: {  	s10 =	sld [smem:$0x3FAD];
	_ =	sdelay $0x3  }
0x33: {  	p0 =	seq.s32 s10, $0x1;
	s10 =	sld [smem:$0x3FAF];
	_ =	sdelay $0x3  }
0x34: {  	[smem:$0x3FAF] =	sst s10  }
0x35: {  	s10 =	sld [smem:$0x3FAE];
	_ =	sdelay $0x3  }
0x36: {  	p1 =	seq.s32 s10, $0x1;
	s10 =	sld [smem:$0x3FAF];
	_ =	sdelay $0x3  }
0x37: {  	[smem:$0x3FAF] =	sst s10  }
0x38: {  	s10 =	sld [smem:$0x3FB0]  }
0x39: {  	_ = 	snop;
	(pc) =	sbr.ind lr, $3  }
0x3a: {  	_ = 	snop  }
0x3b: {  	_ = 	snop  }
0x3c: {  	p2 =	seq.s32 s10, $0x1;
	s10 =	sld [smem:$0x3FAF]  }
0x3d: {  	_ =	shalt  }
0x3e: {  	_ =	shalt  }
0x3f: {  	_ =	shalt  }
0x40: {  	_ =	shalt  }
0x41: {  	_ =	shalt  }
0x42: {  	_ =	shalt  }
0x43: {  	_ =	shalt  }
0x44: {  	_ =	shalt  }
0x45: {  	_ =	shalt  }
0x46: {  	_ =	shalt  }
0x47: {  	_ =	shalt  }
0x48: {  	_ =	shalt  }
0x49: {  	_ =	shalt  }
0x4a: {  	_ =	shalt  }
0x4b: {  	_ =	shalt  }
0x4c: {  	_ =	shalt  }
0x4d: {  	_ =	shalt  }
0x4e: {  	_ =	shalt  }
0x4f: {  	_ =	shalt  }
0x50: {  	_ =	shalt  }
0x51: {  	_ =	shalt  }
0x52: {  	_ =	shalt  }
0x53: {  	_ =	shalt  }
0x54: {  	_ =	shalt  }
0x55: {  	_ =	shalt  }
0x56: {  	_ =	shalt  }
0x57: {  	_ =	shalt  }
0x58: {  	_ =	shalt  }
0x59: {  	_ =	shalt  }
0x5a: {  	_ =	shalt  }
0x5b: {  	_ =	shalt  }
0x5c: {  	_ =	shalt  }
0x5d: {  	_ =	shalt  }
0x5e: {  	_ =	shalt  }
0x5f: {  	_ =	shalt  }
0x60: {  	_ =	shalt  }
0x61: {  	_ =	shalt  }
0x62: {  	_ =	shalt  }
0x63: {  	_ =	shalt  }
0x64: {  	_ =	shalt  }
0x65: {  	_ =	shalt  }
0x66: {  	_ =	shalt  }
0x67: {  	_ =	shalt  }
0x68: {  	_ =	shalt  }
0x69: {  	_ =	shalt  }
0x6a: {  	_ =	shalt  }
0x6b: {  	_ =	shalt  }
0x6c: {  	_ =	shalt  }
0x6d: {  	_ =	shalt  }
0x6e: {  	_ =	shalt  }
0x6f: {  	_ =	shalt  }
0x70: {  	_ =	shalt  }
0x71: {  	_ =	shalt  }
0x72: {  	_ =	shalt  }
0x73: {  	_ =	shalt  }
0x74: {  	_ =	shalt  }
0x75: {  	_ =	shalt  }
0x76: {  	_ =	shalt  }
0x77: {  	_ =	shalt  }
0x78: {  	_ =	shalt  }
0x79: {  	_ =	shalt  }
0x7a: {  	_ =	shalt  }
0x7b: {  	_ =	shalt  }
0x7c: {  	_ =	shalt  }
0x7d: {  	_ =	shalt  }
0x7e: {  	_ =	shalt  }
0x7f: {  	_ =	shalt  }
0x80: {  	_ =	shalt  }
0x81: {  	_ =	shalt  }
0x82: {  	_ =	shalt  }
0x83: {  	_ =	shalt  }
0x84: {  	_ =	shalt  }
0x85: {  	_ =	shalt  }
0x86: {  	_ =	shalt  }
0x87: {  	_ =	shalt  }
.Lfunc_end0:
.L_simem_size_0:
called_computation_lowered:
.L_overlay_start_0:
0x88: {  	s2 =	sld [smem:$0x3FD9]  }
0x89: {  	s3 =	sld [smem:$0x3FFE];
	_ =	sdelay $0x1  }
0x8a: {  	s1 =	srdreg.scid  }
0x8b: {  	s0 =	sand.u32 $0x1, s1  }
0x8c: {  	s14 =	sshll.u32 s0, $0xA;
	s2 =	sadd.s32 s3, s2  }
0x8d: {  	s2 =	sadd.s32 s2, s14  }
0x8e: {  	[smem:$0x3FBB] =	sst s2  }
0x8f: {  	_ = 	snop  }
0x90: {  	s2 =	sld [smem:$0x3FD0];
	_ =	sdelay $0x2  }
0x91: {  	s15 =	simm.s32 $0xA;
	s4 =	simm.s32 $0x10  }
0x92: {  	[smem:s4], [sflag:s15] =	dma.local [hbm:s2], $0x1  }
0x93: {  	_ =	swait.eq [sflag:s15], $0x1  }
0x94: {  	[sflag:s15] =	ssyncset.done $0x0  }
0x95: {  	s16 =	sld [smem:$0x11];
	[sflag:s15] =	ssyncadd.s32 $0xFFFFFFFF  }
0x96: {  	s17 =	sld [smem:$0x12];
	(tm) =	ssettm $0x1  }
0x97: {  	s18 =	sld [smem:$0x3FFB];
	_ =	sdelay $0x3  }
0x98: {  	_ =	strace s18  }
0x99: {  	s4 =	sld [smem:$0x3FFC];
	_ =	sdelay $0x3  }
0x9a: {  	_ =	strace s4  }
0x9b: {  	s4 =	sld [smem:$0x3FFD];
	_ =	sdelay $0x3  }
0x9c: {  	_ =	strace s4  }
0x9d: {  	_ =	strace $0x8FFFFFFF  }
0x9e: {  	s19 =	sld [smem:$0x3FDB];
	_ =	sdelay $0x1  }
0x9f: {  	s5 =	simm.s32 $_scs_section_size  }
0xa0: {  	s6 =	simm.s32 $_size__tile_overlayer_lowered;
	s7 =	simm.s32 $_tile_overlayer_lowered  }
0xa1: {  	s22 =	simm.s32 $0x1BFF;
	s21 =	sshll.u32 s7, $0x1;
	s4 =	sadd.s32 s5, s19  }
0xa2: {  	s8 =	simm.s32 $0x0;
	s20 =	sshll.u32 s6, $0x1;
	s6 =	sadd.s32 s21, s4  }
0xa3: {  	[timem:s8], [sflag:s22] =	dma.local [hbm:s6], s20  }
0xa4: {  	_ =	swait.ge [sflag:s22], s20  }
0xa5: {  	s5 =	ssub.s32 $0x0, s20;
	[sflag:s22] =	ssyncset.done $0x0  }
0xa6: {  	[sflag:s22] =	ssyncadd.s32 s5;
	_ =	sdelay $0x1  }
0xa7: {  	s23 =	simm.s32 $0x1B8B  }
0xa8: {  	_ =	swait.ge [sflag:s23], $0x1  }
0xa9: {  	[sflag:s23] =	ssyncset.done $0x0  }
0xaa: {  	s25 =	simm.s32 $0x1B8E;
	s24 =	sld [smem:$0x3FFE];
	[sflag:s23] =	ssyncadd.s32 $0xFFFFFFFF  }
0xab: {  	s26 =	simm.s32 $execute0_lowered;
	[smem:$0x3FD2] =	sst s25  }
0xac: {  	s6 =	sshll.u32 s26, $0x1;
	_ =	strace $0x80000046;
	[dreg:$0x1] =	wrdreg $0xFFFFFFFF  }
0xad: {  	s28 =	simm.s32 $_size_execute0_lowered;
	s4 =	sadd.s32 s4, s6;
	[dreg:$0x0] =	wrdreg $0x0  }
0xae: {  	s6 =	sshll.u32 s28, $0x1;
	[dreg:$0x2] =	wrdreg s4  }
0xaf: {  	[dreg:$0x3] =	wrdreg s6  }
0xb0: {  	[dreg:$0x4] =	wrdreg $0xC0  }
0xb1: {  	_ =	task [dreg:s8], $0x5FFFF  }
0xb2: {  	[dreg:$0x1] =	wrdreg $0xFFFFFFFF  }
0xb3: {  	[dreg:$0x0] =	wrdreg $0x60  }
0xb4: {  	[dreg:$0x2] =	wrdreg s17  }
0xb5: {  	[dreg:$0x3] =	wrdreg s16  }
0xb6: {  	[dreg:$0x4] =	wrdreg s24  }
0xb7: {  	[dreg:$0x5] =	wrdreg $0x140000  }
0xb8: {  	[dreg:$0x6] =	wrdreg $0x9  }
0xb9: {  	_ =	task.clear_ibuf [dreg:s8], $0x7FFFF;
	_ =	strace $0x90000046  }
0xba: {  	s29 =	simm.s32 $0x9;
	_ =	strace $0x80000048  }
0xbb: {  	_ =	swait.ge [sflag:s29], $0x1  }
0xbc: {  	[sflag:s29] =	ssyncadd.s32 $0xFFFFFFFF  }
0xbd: {  	_ =	strace $0x90000048  }
0xbe: {  	_ =	sfence  }
0xbf: {  	s30 =	sld [smem:$0x0];
	_ =	sdelay $0x2  }
0xc0: {  	s31 =	sshll.u32 s1, $0xD;
	s1 =	sshrl.u32 s1, $0x2  }
0xc1: {  	s3 =	sand.u32 $0x4000, s31;
	s1 =	sadd.s32 s1, s30  }
0xc2: {  	s0 =	sor.u32 s3, s0;
	s1 =	sshll.u32 s1, $0x11  }
0xc3: {  	s0 =	sor.u32 s1, s0  }
0xc4: {  	s0 =	sadd.s32 $0x8F2B, s0  }
0xc5: {  	[sflag:s0] =	ssyncadd.remote.s32 $0x1  }
0xc6: {  	_ =	sfence.sel $0xFFFF  }
0xc7: {  	[dreg:$0x0] =	wrdreg $0xFFFFFFFF;
	(pc) =	sbr.abs _section_cstart, $3  }
0xc8: {  	[dreg:$0x1] =	wrdreg $0xFFFFFFFF  }
0xc9: {  	_ =	task.clear_ibuf [dreg:s8], $0x2FFFF;
	_ =	strace $0x9FFFFFFF  }
0xca: {  	(tm) =	ssettm $0x7FFFFFFF  }
0xcb: {  	_ =	shalt  }
tec
execute0_lowered:
.L_overlay_start_1:
0x0: {  	(tag) =	ssettag $0x1  }
0x1: {  	s1 =	rddreg [dreg:$0x0]  }
0x2: {  	s0 =	rddreg [dreg:$0x1]  }
0x3: {  	s2 =	rddreg [dreg:$0x2]  }
0x4: {  	s3 =	rddreg [dreg:$0x3]  }
0x5: {  	s4 =	srdreg.scid;
	s13 =	stileid.u32  }
0x6: {  	s14 =	simm.s32 $0x80;
	s15 =	simm.s32 $0x4000;
	s28 =	simm.s32 $0x0  }
0x7: {  	s7 =	sand.u32 $0x1, s4;
	s4 =	simm.s32 $0x0;
	s21 =	smul.u32 $0x1080, s13  }
0x8: {  	s6 =	sshll.u32 s13, $0xA;
	s22 =	smul.u32 $0x21000, s13;
	s10 =	sshll.u32 s13, $0xC  }
0x9: {  	s25 =	sshll.u32 s13, $0x6;
	s29 =	sshll.u32 s13, $0xF;
	s13 =	simm.s32 $0x2000  }
0xa: {  	s5 =	sshll.u32 s7, $0xE;
	[smem:$0x7FF] =	sst s4;
	s11 =	ssub.s32 $0x2, s7  }
0xb: {  	s12 =	sshll.u32 s7, $0x10;
	s31 =	sadd.s32 s29, s3;
	s8 =	sor.u32 s6, s5  }
0xc: {  	_ =	strace $0x80000047;
	s5 =	sadd.s32 s21, s2;
	s23 =	sshrl.u32 s11, $0x1  }
0xd: {  	s6 =	sshrl.u32 s22, $0x2;
	s21 =	simm.s32 $0x1;
	s22 =	simm.s32 $0x5  }
0xe: {  	s9 =	sadd.s32 s8, s2;
	s2 =	sadd.s32 s10, s2;
	s10 =	ssub.s32 s11, s23  }
0xf: {  	s24 =	sadd.s32 s6, s3;
	s5 =	sadd.s32 $0xB600, s5;
	s6 =	sor.u32 $0x1C09, s25  }
0x10: {  	s0 =	sadd.s32 s0, s8;
	s23 =	simm.s32 $0x6;
	[dreg:$0x5] =	wrdreg s5  }
0x11: {  	s25 =	sshrl.u32 s31, $0x3;
	[dreg:$0x6] =	wrdreg s0;
	s26 =	sadd.s32 s12, s2  }
0x12: {  	s30 =	sadd.s32 $0x3600, s9;
	s10 =	smax.u32 s10, $0x1;
	s11 =	sshrl.u32 s24, $0x3  }
0x13: {  	s12 =	simm.s32 $0x9;
	[dreg:$0x7] =	wrdreg s30;
	s0 =	sadd.s32 $0x1BE00, s26  }
0x14: {  	s24 =	simm.s32 $0x7;
	s26 =	simm.s32 $0x8;
	[dreg:$0x8] =	wrdreg s0  }
.LBB2_1:
0x15: {  	s0 =	rddreg [dreg:$0x5]  }
0x16: {  	[spmem:s11], [sflag:s6] =	dma.local [hbm:s0], $0x1080  }
0x17: {  	_ =	swait.ge [sflag:s12], $0x1080  }
0x18: {  	[sflag:s12] =	ssyncset.done $0x0  }
0x19: {  	s19 =	rddreg [dreg:$0x6];
	[sflag:s12] =	ssyncadd.s32 $0xFFFFEF80  }
0x1a: {  	[tilespmem:s4], [sflag:$0x9] =	stream.linear.gather [hbm4b:s19+s4], $0x2000, $0x38;
	[tilespmem:$0x1C400] =	vst v63  }
0x1b: {  	_ =	swait.ge [sflag:s12], $0x2000  }
0x1c: {  	[sflag:s12] =	ssyncset.done $0x0  }
0x1d: {  	s20 =	rddreg [dreg:$0x7];
	[sflag:s12] =	ssyncadd.s32 $0xFFFFE000  }
0x1e: {  	[tilespmem:s13], [sflag:$0x9] =	stream.linear.gather [hbm4b:s20+s4], $0x2000, $0x38;
	[tilespmem:$0x1C400] =	vst v63  }
0x1f: {  	_ =	swait.ge [sflag:s12], $0x2000  }
0x20: {  	[sflag:s12] =	ssyncset.done $0x0  }
0x21: {  	[sflag:s12] =	ssyncadd.s32 $0xFFFFE000  }
0x22: {  	s2 =	simm.s32 $0x8000;
	[bflag:$0x0] =	sbarrier.arrive $0xFFFF  }
0x23: {  	[tilespmem:s15], [sflag:$0x1] =	stream.indirect.gather [hbm4b:s1+s14], $0x80, s4, s14, $0xb8;
	[tilespmem:$0x1C400] =	vst v63  }
0x24: {  	s5 =	simm.s32 $0x100;
	s7 =	simm.s32 $0x180;
	s8 =	simm.s32 $0x10000  }
0x25: {  	[tilespmem:s2], [sflag:$0x2] =	stream.indirect.gather [hbm4b:s1+s14], $0x80, s14, s14, $0xb8;
	[tilespmem:$0x1C400] =	vst v63  }
0x26: {  	p0 =	por $0x0, $0x0;
	s18 =	simm.s32 $0x2080;
	s2 =	simm.s32 $0xC000  }
0x27: {  	[tilespmem:s2], [sflag:$0x3] =	stream.indirect.gather [hbm4b:s1+s14], $0x80, s5, s14, $0xb8;
	[tilespmem:$0x1C400] =	vst v63  }
0x28: {  	s17 =	simm.s32 $0x1;
	s29 =	simm.s32 $0x2100;
	s0 =	simm.s32 $0x4  }
0x29: {  	[tilespmem:s8], [sflag:$0x4] =	stream.indirect.gather [hbm4b:s1+s14], $0x80, s7, s14, $0xb8;
	[tilespmem:$0x1C400] =	vst v63  }
0x2a: {  	s16 =	sand.u32 @!p0 $0x3, s0;
	s0 =	simm.s32 $0x5;
	_ =	swait.ge [sflag:s21], $0x4000  }
0x2b: {  	s19 =	sadd.s32 @!p0 $0x5, s16;
	s20 =	sand.u32 $0x3, s17;
	[sflag:s21] =	ssyncset.done $0x0  }
0x2c: {  	s17 =	sshll.u32 @!p0 s16, $0xE;
	s16 =	sadd.s32 @!p0 $0x1, s16;
	[sflag:s21] =	ssyncadd.s32 $0xFFFFC000  }
0x2d: {  	[spmem:s3] =	stream.indirect.scatter.add.f32 [tilespmem:s15], [sflag:$0x5], $0x80, s13, s14, $0xb8;
	[tilespmem:$0x1C400] =	vst v63  }
0x2e: {  	s17 =	sadd.s32 @!p0 $0x4000, s17;
	s31 =	sadd.s32 $0x1, s20;
	_ =	swait.ge @!p0 [sflag:s19], $0x4000  }
0x2f: {  	s9 =	sshll.u32 s20, $0xE;
	s20 =	sadd.s32 $0x5, s20;
	[sflag:s19] =	ssyncset.done @!p0 $0x0  }
0x30: {  	s2 =	simm.s32 $0x200;
	[sflag:s19] =	ssyncadd.s32 @!p0 $0xFFFFC000;
	s19 =	simm.s32 @!p0 $0x80  }
0x31: {  	[tilespmem:s17], [sflag:s16] =	stream.indirect.gather @!p0 [hbm4b:s1+s19], $0x80, s2, s19, $0xb8;
	[tilespmem:$0x1C400] =	vst v63  }
0x32: {  	s2 =	simm.s32 $0x2;
	s16 =	simm.s32 $0x6;
	_ =	swait.ge [sflag:s31], $0x4000  }
0x33: {  	s19 =	sadd.s32 $0x4000, s9;
	s30 =	sand.u32 $0x3, s2;
	[sflag:s31] =	ssyncset.done $0x0  }
0x34: {  	s17 =	sshll.u32 s30, $0xE;
	[sflag:s31] =	ssyncadd.s32 $0xFFFFC000;
	s31 =	simm.s32 $0x280  }
.LBB2_2:
0x35: {  	[spmem:s3] =	stream.indirect.scatter.add.f32 [tilespmem:s19], [sflag:s20], $0x80, s18, s14, $0xb8;
	[tilespmem:$0x1C400] =	vst v63  }
0x36: {  	s18 =	smov.u32 s16;
	s20 =	smov.u32 s30;
	s19 =	smov.u32 s17  }
0x37: {  	s16 =	sadd.s32 $0x1, s16;
	p1 =	sgt.u32 s2, $0x3C;
	s2 =	sadd.s32 $0xFFFFFFFD, s18  }
0x38: {  	p0 =	sne.s32 s16, $0x43;
	s0 =	sand.u32 @!p1 $0x3, s0;
	s30 =	sand.u32 $0x3, s2  }
0x39: {  	s5 =	sadd.s32 @!p1 $0x5, s0;
	s7 =	sshll.u32 @!p1 s0, $0xE;
	s8 =	sadd.s32 @!p1 $0x1, s0  }
0x3a: {  	s17 =	sshll.u32 s30, $0xE;
	s7 =	sadd.s32 @!p1 $0x4000, s7;
	_ =	swait.ge @!p1 [sflag:s5], $0x4000  }
0x3b: {  	s9 =	sadd.s32 $0x1, s20;
	s0 =	smov.u32 s18;
	[sflag:s5] =	ssyncset.done @!p1 $0x0  }
.Ltmp0:
0x3c: {  	[sflag:s5] =	ssyncadd.s32 @!p1 $0xFFFFC000;
	s5 =	simm.s32 @!p1 $0x80;
	(pc) =	sbr.rel @p0 .LBB2_2-.Ltmp0, $4  }
0x3d: {  	[tilespmem:s7], [sflag:s8] =	stream.indirect.gather @!p1 [hbm4b:s1+s5], $0x80, s31, s5, $0xb8;
	[tilespmem:$0x1C400] =	vst v63  }
0x3e: {  	s18 =	smov.u32 s29;
	_ =	swait.ge [sflag:s9], $0x4000  }
0x3f: {  	s29 =	sadd.s32 $0x80, s29;
	s31 =	sadd.s32 $0x80, s31;
	[sflag:s9] =	ssyncset.done $0x0  }
0x40: {  	s19 =	sadd.s32 $0x4000, s19;
	s20 =	sadd.s32 $0x5, s20;
	[sflag:s9] =	ssyncadd.s32 $0xFFFFC000  }
0x41: {  	[spmem:s3] =	stream.indirect.scatter.add.f32 [tilespmem:s19], [sflag:s20], $0x80, s18, s14, $0xb8;
	[tilespmem:$0x1C400] =	vst v63  }
0x42: {  	p0 =	sgt.u32 s2, $0x3C  }
0x43: {  	s0 =	sand.u32 @!p0 $0x3, s0  }
0x44: {  	s2 =	sadd.s32 @!p0 $0x5, s0  }
0x45: {  	s7 =	sadd.s32 $0x1, s30;
	_ =	swait.ge @!p0 [sflag:s2], $0x4000  }
0x46: {  	s5 =	sshll.u32 @!p0 s0, $0xE;
	s0 =	sadd.s32 @!p0 $0x1, s0;
	[sflag:s2] =	ssyncset.done @!p0 $0x0  }
0x47: {  	s5 =	sadd.s32 @!p0 $0x4000, s5;
	[sflag:s2] =	ssyncadd.s32 @!p0 $0xFFFFC000;
	s2 =	simm.s32 @!p0 $0x80  }
0x48: {  	[tilespmem:s5], [sflag:s0] =	stream.indirect.gather @!p0 [hbm4b:s1+s2], $0x80, s31, s2, $0xb8;
	[tilespmem:$0x1C400] =	vst v63  }
0x49: {  	_ =	swait.ge [sflag:s7], $0x4000  }
0x4a: {  	[sflag:s7] =	ssyncset.done $0x0  }
0x4b: {  	s20 =	sadd.s32 $0x4000, s17;
	s30 =	sadd.s32 $0x5, s30;
	[sflag:s7] =	ssyncadd.s32 $0xFFFFC000  }
0x4c: {  	[spmem:s3] =	stream.indirect.scatter.add.f32 [tilespmem:s20], [sflag:s30], $0x80, s29, s14, $0xb8;
	[tilespmem:$0x1C400] =	vst v63  }
0x4d: {  	_ =	swait.ge [sflag:s22], $0x4000  }
0x4e: {  	[sflag:s22] =	ssyncset.done $0x0  }
0x4f: {  	[sflag:s22] =	ssyncadd.s32 $0xFFFFC000  }
0x50: {  	_ =	swait.ge [sflag:s23], $0x4000  }
0x51: {  	[sflag:s23] =	ssyncset.done $0x0  }
0x52: {  	[sflag:s23] =	ssyncadd.s32 $0xFFFFC000  }
0x53: {  	_ =	swait.ge [sflag:s24], $0x4000  }
0x54: {  	[sflag:s24] =	ssyncset.done $0x0  }
0x55: {  	[sflag:s24] =	ssyncadd.s32 $0xFFFFC000  }
0x56: {  	_ =	swait.ge [sflag:s26], $0x4000  }
0x57: {  	[sflag:s26] =	ssyncset.done $0x0  }
0x58: {  	s28 =	sadd.s32 $0x1, s28;
	[sflag:s26] =	ssyncadd.s32 $0xFFFFC000  }
0x59: {  	p0 =	sne.s32 s28, s10;
	[bflag:$0x0] =	sbarrier.arrive $0xFFFF  }
.Ltmp1:
0x5a: {  	s31 =	rddreg [dreg:$0x8];
	(pc) =	sbr.rel @p0 .LBB2_1-.Ltmp1, $4  }
0x5b: {  	[hbm:s31], [sflag:s6] =	dma.local [spmem:s25], $0x1000  }
0x5c: {  	_ =	swait.ge [sflag:s12], $0x1000  }
0x5d: {  	[sflag:s12] =	ssyncset.done $0x0  }
0x5e: {  	[sflag:s12] =	ssyncadd.s32 $0xFFFFF000  }
0x5f: {  	_ =	sfence.sel $0x180000  }
0x60: {  	[bflag:$0x0] =	sbarrier.arrive $0xFFFF  }
0x61: {  	_ =	strace $0x90000047  }
0x62: {  	s0 =	stileid.u32;
	[bflag:$0x2] =	sbarrier.arrive $0xFFFF  }
0x63: {  	p0 =	sne.s32 s0, $0x0;
	s0 =	rddreg [dreg:$0x4]  }
0x64: {  	s0 =	sadd.s32 @!p0 $0x100000, s0  }
0x65: {  	[sflag:s0] =	ssyncadd.tile.s32 @!p0 $0x1;
	_ =	shalt  }
.Lfunc_end2:
_tile_overlayer_lowered:
.L_overlay_start_2:
0x66: {  	(tag) =	ssettag $0x2  }
0x67: {  	s0 =	rddreg [dreg:$0x0];
	s2 =	stileid.u32  }
0x68: {  	s1 =	rddreg [dreg:$0x1];
	p0 =	sne.s32 s2, $0x0  }
0x69: {  	s3 =	rddreg [dreg:$0x2];
	[bflag:$0x3] =	sbarrier.arrive $0xFFFF;
	s2 =	simm.s32 @!p0 $0x1C09  }
0x6a: {  	[timem:s3], [sflag:s2] =	dma.local @!p0 [hbm:s0], s1  }
0x6b: {  	s0 =	simm.s32 @!p0 $0x9  }
0x6c: {  	_ =	swait.ge @!p0 [sflag:s0], s1  }
0x6d: {  	s1 =	ssub.s32 @!p0 $0x0, s1;
	[sflag:s0] =	ssyncset.done @!p0 $0x0  }
0x6e: {  	[sflag:s0] =	ssyncadd.s32 @!p0 s1  }
0x6f: {  	[bflag:$0x3] =	sbarrier.arrive $0xFFFF  }
0x70: {  	_ =	shalt  }

</sc_bundles>
